<compile_context>
chip_gen: v7x
topology: tpu7x:2x2x1
jax: 0.10.2.dev20260603
libtpu: 0.0.44.dev20260713+nightly
codegen_flags: <defaults>
</compile_context>

<pallas_src>
import functools

import numpy as np
import jax
import jax.numpy as jnp
from jax import lax
from jax.experimental import pallas as pl
from jax.experimental.pallas import tpu as pltpu
from jax.experimental.pallas import tpu_sc as plsc

N = 1048576
DIM = 3
NT = 4096
OMEGA_BATCH = 1024
TIME_BATCH = 32
NLEV1 = 11
NLEV2 = 10
NTILES = 32
QPT = OMEGA_BATCH // NTILES


def _tf2x32(k0, k1, x0, x1):
    x0 = np.asarray(x0, np.uint32).copy()
    x1 = np.asarray(x1, np.uint32).copy()
    ks0 = np.uint32(k0)
    ks1 = np.uint32(k1)
    ks2 = np.uint32(ks0 ^ ks1 ^ np.uint32(0x1BD11BDA))
    rot = ([13, 15, 26, 6], [17, 29, 16, 24])
    ks = [ks0, ks1, ks2]
    x0 = (x0 + ks0).astype(np.uint32)
    x1 = (x1 + ks1).astype(np.uint32)
    for i in range(5):
        for r in rot[i % 2]:
            x0 = (x0 + x1).astype(np.uint32)
            x1 = ((x1 << np.uint32(r)) | (x1 >> np.uint32(32 - r))).astype(np.uint32)
            x1 = (x1 ^ x0).astype(np.uint32)
        x0 = (x0 + ks[(i + 1) % 3]).astype(np.uint32)
        x1 = (x1 + ks[(i + 2) % 3] + np.uint32(i + 1)).astype(np.uint32)
    return x0, x1


def _split2(k0, k1):
    b0, b1 = _tf2x32(k0, k1, np.zeros(2, np.uint32), np.arange(2, dtype=np.uint32))
    return (b0[0], b1[0]), (b0[1], b1[1])


def _random_bits(key, idx):
    idx = np.asarray(idx, np.uint32)
    o0, o1 = _tf2x32(key[0], key[1], np.zeros_like(idx), idx)
    return (o0 ^ o1).astype(np.uint32)


def _make_constants():
    k1, k2 = _split2(np.uint32(0), np.uint32(42))
    bits = _random_bits(k1, np.arange(OMEGA_BATCH))
    u = ((bits >> np.uint32(9)) | np.uint32(0x3F800000)).view(np.float32) - np.float32(1.0)
    u = np.maximum(np.float32(0.0), u)
    one_minus_u = (np.float32(1.0) - u).astype(np.float32)
    perm = np.arange(NT, dtype=np.int32)
    kk = k2
    for _ in range(2):
        kk, sub = _split2(kk[0], kk[1])
        perm = perm[np.argsort(_random_bits(sub, np.arange(NT)), kind="stable")]
    return one_minus_u, perm[:TIME_BATCH].astype(np.int32)


_ONE_MINUS_U, _T_IDX = _make_constants()


def _iota16():
    return jnp.arange(16, dtype=jnp.int32)


def _sc_body(p2d, s_arr, r_arr, tidx, times, omega_rows, out2,
             s_v, r_v, b_v, low_v, high_v, wins, ind_v, gidx, obuf,
             tidx_v, times_v, tv_v, buf, sem):
    cc = lax.axis_index("c")
    ss = lax.axis_index("s")
    w = cc * 16 + ss
    base = w * QPT

    pltpu.sync_copy(s_arr, s_v)
    pltpu.sync_copy(r_arr.at[pl.ds(base, QPT)], r_v)
    pltpu.sync_copy(tidx, tidx_v)

    for v in range(2):
        rq = r_v[pl.ds(v * 16, 16)]
        lo = jnp.zeros((16,), jnp.int32)
        hi = jnp.full((16,), N, jnp.int32)

        def lvl1(_, lh, rq=rq):
            lo, hi = lh
            mid = lo + ((hi - lo) >> 1)
            sval = plsc.load_gather(s_v, [mid >> 9])
            go = rq <= sval
            return jnp.where(go, lo, mid), jnp.where(go, mid, hi)

        lo, hi = lax.fori_loop(0, NLEV1, lvl1, (lo, hi))
        b_v[pl.ds(v * 16, 16)] = lo >> 9
        low_v[pl.ds(v * 16, 16)] = lo
        high_v[pl.ds(v * 16, 16)] = hi

    pltpu.async_copy(p2d.at[b_v], wins, sem).wait()
    for v in range(2):
        rq = r_v[pl.ds(v * 16, 16)]
        lo = low_v[pl.ds(v * 16, 16)]
        hi = high_v[pl.ds(v * 16, 16)]
        lo0 = lo
        qrow = _iota16() + (v * 16)

        def lvl2(_, lh, rq=rq, lo0=lo0, qrow=qrow):
            lo, hi = lh
            mid = lo + ((hi - lo) >> 1)
            sval = plsc.load_gather(wins, [qrow, mid - lo0])
            go = rq <= sval
            return jnp.where(go, lo, mid), jnp.where(go, mid, hi)

        lo, hi = lax.fori_loop(0, NLEV2, lvl2, (lo, hi))
        ind_v[pl.ds(v * 16, 16)] = hi

    for v in range(6):
        q = _iota16() + ((v & 1) * 16)
        indq = plsc.load_gather(ind_v, [q])
        gidx[pl.ds(v * 16, 16)] = (v >> 1) * (N // 128) + (indq >> 7)
    pltpu.async_copy(omega_rows.at[gidx], obuf, sem).wait()

    pltpu.sync_copy(times, times_v)
    for v in range(2):
        tq = _iota16() + v * 16
        tidxq = plsc.load_gather(tidx_v, [tq])
        tv_v[pl.ds(v * 16, 16)] = plsc.load_gather(times_v, [tidxq])

    for v in range(2):
        q = _iota16() + v * 16
        indq = plsc.load_gather(ind_v, [q])
        col = indq & 127

        def _coord(d, col=col, q=q):
            return plsc.load_gather(obuf, [q + d * QPT, col])

        x0 = _coord(0)
        x1 = _coord(1)
        x2 = _coord(2)

        def tloop(t, carry, q=q, x0=x0, x1=x1, x2=x2):
            ts = jnp.full((16,), t, jnp.int32)
            col = q * 4
            tval = plsc.load_gather(tv_v, [ts])
            plsc.store_scatter(buf, [ts, col], tval)
            plsc.store_scatter(buf, [ts, col + 1], x0)
            plsc.store_scatter(buf, [ts, col + 2], x1)
            plsc.store_scatter(buf, [ts, col + 3], x2)
            return carry

        lax.fori_loop(0, TIME_BATCH, tloop, 0)

    pltpu.sync_copy(buf, out2.at[:, pl.ds(base * 4, QPT * 4)])


_sc_call = functools.partial(
    pl.kernel,
    out_type=jax.ShapeDtypeStruct((TIME_BATCH, OMEGA_BATCH * 4), jnp.float32),
    mesh=plsc.VectorSubcoreMesh(core_axis_name="c", subcore_axis_name="s"),
    compiler_params=pltpu.CompilerParams(needs_layout_passes=False),
    scratch_types=[
        pltpu.VMEM((2048,), jnp.float32),
        pltpu.VMEM((QPT,), jnp.float32),
        pltpu.VMEM((QPT,), jnp.int32),
        pltpu.VMEM((QPT,), jnp.int32),
        pltpu.VMEM((QPT,), jnp.int32),
        pltpu.VMEM((QPT, 512), jnp.float32),
        pltpu.VMEM((QPT,), jnp.int32),
        pltpu.VMEM((3 * QPT,), jnp.int32),
        pltpu.VMEM((3 * QPT, 128), jnp.float32),
        pltpu.VMEM((TIME_BATCH,), jnp.int32),
        pltpu.VMEM((NT,), jnp.float32),
        pltpu.VMEM((TIME_BATCH,), jnp.float32),
        pltpu.VMEM((TIME_BATCH, QPT * 4), jnp.float32),
        pltpu.SemaphoreType.DMA,
    ],
)(_sc_body)


def kernel(omega, times, scores):
    s = jnp.sum(scores)
    p = scores / s
    p_cuml = jnp.cumsum(p)
    r = p_cuml[-1] * jnp.asarray(_ONE_MINUS_U)
    p2d = p_cuml.reshape(N // 512, 512)
    s_arr = p_cuml[::512]
    tidx = jnp.asarray(_T_IDX)
    out2 = _sc_call(p2d, s_arr, r, tidx, times.reshape(NT),
                    omega.T.reshape(DIM * (N // 128), 128))
    return out2.reshape(TIME_BATCH * OMEGA_BATCH, 4)

# --- scband reference (transcript-rebuilt; emitter-appended) ---
"""Pipeline reference for scband-cubic-mesh-pdenon-statio-44985487458548 (READ-ONLY COPY).

The authoritative reference and input builder live on the scoring server;
editing this copy changes nothing except your own understanding.
"""

import jax, jax.numpy as jnp
import numpy as np

N = 1048576
DIM = 3
NT = 4096
OMEGA_BATCH = 1024
TIME_BATCH = 32


def make_cartesian_product(b1, b2):
    # Cartesian product of a time batch and an omega batch by repeat/tile,
    # faithful to the module's make_cartesian_product helper.
    n1 = b1.shape[0]
    n2 = b2.shape[0]
    b1 = jnp.repeat(b1, n2, axis=0)
    b2 = jnp.tile(b2, reps=(n1,) + tuple(1 for _ in b2.shape[1:]))
    return jnp.concatenate([b1, b2], axis=1)


def setup_inputs(seed: int = 0):
    key = jax.random.key(seed)
    k1, k2, k3 = jax.random.split(key, 3)
    # omega: n collocation points sampled uniformly in the cubic mesh [0,1]^dim
    omega = jax.random.uniform(k1, (N, DIM), dtype=jnp.float32)
    # times: nt time points in [tmin, tmax] = [0, 1]
    times = jax.random.uniform(k2, (NT, 1), dtype=jnp.float32)
    # scores: unnormalized RAR residual weights over the n collocation points
    scores = jax.random.uniform(k3, (N,), dtype=jnp.float32) + 1e-3
    return {"omega": omega, "times": times, "scores": scores}


def reference(omega, times, scores):
    key = jax.random.key(42)
    k1, k2 = jax.random.split(key)
    # RAR sampling scheme: p is a probability vector over the n points
    p = scores / jnp.sum(scores)
    # _reset_batch_idx_and_permute with p is not None: weighted resample with replacement
    omega_res = jax.random.choice(k1, omega, shape=(omega.shape[0],), replace=True, p=p)
    # time points: plain permutation (p is None for the time axis)
    times_perm = jax.random.permutation(k2, times, axis=0, independent=False)
    # take the current mini-batches starting at curr_idx = 0 (just-reset epoch)
    omega_batch = jax.lax.dynamic_slice(omega_res, (0, 0), (OMEGA_BATCH, DIM))
    t_batch = jax.lax.dynamic_slice(times_perm, (0, 0), (TIME_BATCH, 1))
    # non-stationary batch: cartesian product of time batch and omega batch -> [t, x]
    batch = make_cartesian_product(t_batch, omega_batch)
    return batch

if __name__ == "__main__":
    import jax
    _d = setup_inputs()
    print(jax.jit(kernel)(*tuple(_d.values())))

</pallas_src>

<mosaic_0001>
#map = affine_map<(d0, d1) -> (0, 0)>
#map1 = affine_map<(d0, d1) -> (0)>
module attributes {stable_mosaic.version = 14 : i64} {
  func.func @_sc_body(%arg0: i32, %arg1: i32, %arg2: memref<2048x512xf32, #tpu.memory_space<hbm>>, %arg3: memref<2048xf32, #tpu.memory_space<hbm>>, %arg4: memref<1024xf32, #tpu.memory_space<hbm>>, %arg5: memref<32xi32, #tpu.memory_space<hbm>>, %arg6: memref<4096xf32, #tpu.memory_space<hbm>>, %arg7: memref<24576x128xf32, #tpu.memory_space<hbm>>, %arg8: memref<32x4096xf32, #tpu.memory_space<hbm>>, %arg9: memref<2048xf32, #tpu.memory_space<vmem>>, %arg10: memref<32xf32, #tpu.memory_space<vmem>>, %arg11: memref<32xi32, #tpu.memory_space<vmem>>, %arg12: memref<32xi32, #tpu.memory_space<vmem>>, %arg13: memref<32xi32, #tpu.memory_space<vmem>>, %arg14: memref<32x512xf32, #tpu.memory_space<vmem>>, %arg15: memref<32xi32, #tpu.memory_space<vmem>>, %arg16: memref<96xi32, #tpu.memory_space<vmem>>, %arg17: memref<96x128xf32, #tpu.memory_space<vmem>>, %arg18: memref<32xi32, #tpu.memory_space<vmem>>, %arg19: memref<4096xf32, #tpu.memory_space<vmem>>, %arg20: memref<32xf32, #tpu.memory_space<vmem>>, %arg21: memref<32x128xf32, #tpu.memory_space<vmem>>, %arg22: memref<!tpu.dma_semaphore, #tpu.memory_space<semaphore_mem>>) attributes {dimension_semantics = [#tpu.dimension_semantics<core_parallel>, #tpu.dimension_semantics<subcore_parallel>], iteration_bounds = array<i64: 2, 16>, scalar_prefetch = 0 : i64, scratch_operands = 14 : i64, tpu.core_type = #tpu.core_type<sc_vector_subcore>, window_params = [{transform_indices = #map}, {transform_indices = #map1}, {transform_indices = #map1}, {transform_indices = #map1}, {transform_indices = #map1}, {transform_indices = #map}, {transform_indices = #map}]} {
    %mul3A = arith.constant 16 : i32
    %mul3A_0 = arith.muli %arg0, %mul3A : i32
    %add3A = arith.addi %mul3A_0, %arg1 : i32
    %mul3A_1 = arith.constant 32 : i32
    %mul3A_2 = arith.muli %add3A, %mul3A_1 : i32
    "tpu.region"() ({
      %run_scoped3A = tpu.sem_alloc : memref<!tpu.dma_semaphore, #tpu.memory_space<semaphore_mem>>
      tpu.enqueue_dma source(%arg3 : memref<2048xf32, #tpu.memory_space<hbm>>) target(%arg9 : memref<2048xf32, #tpu.memory_space<vmem>>) target_semaphore(%run_scoped3A : memref<!tpu.dma_semaphore, #tpu.memory_space<semaphore_mem>>)
      tpu.wait_dma2 semaphore(%run_scoped3A : memref<!tpu.dma_semaphore, #tpu.memory_space<semaphore_mem>>) src(%arg3 : memref<2048xf32, #tpu.memory_space<hbm>>) dst(%arg9 : memref<2048xf32, #tpu.memory_space<vmem>>)
      tpu.yield
    }) : () -> ()
    "tpu.region"() ({
      %run_scoped3A = tpu.sem_alloc : memref<!tpu.dma_semaphore, #tpu.memory_space<semaphore_mem>>
      %dma_start3A_231 = tpu.memref_slice %arg4[%mul3A_2] : memref<1024xf32, #tpu.memory_space<hbm>> -> memref<32xf32, #tpu.memory_space<hbm>>
      %dma_start3A_232 = tpu.memref_slice %arg4[%mul3A_2] : memref<1024xf32, #tpu.memory_space<hbm>> -> memref<32xf32, #tpu.memory_space<hbm>>
      tpu.enqueue_dma source(%dma_start3A_232 : memref<32xf32, #tpu.memory_space<hbm>>) target(%arg10 : memref<32xf32, #tpu.memory_space<vmem>>) target_semaphore(%run_scoped3A : memref<!tpu.dma_semaphore, #tpu.memory_space<semaphore_mem>>)
      %dma_wait3A_233 = tpu.memref_slice %arg4[%mul3A_2] : memref<1024xf32, #tpu.memory_space<hbm>> -> memref<32xf32, #tpu.memory_space<hbm>>
      %dma_wait3A_234 = tpu.memref_slice %arg4[%mul3A_2] : memref<1024xf32, #tpu.memory_space<hbm>> -> memref<32xf32, #tpu.memory_space<hbm>>
      tpu.wait_dma2 semaphore(%run_scoped3A : memref<!tpu.dma_semaphore, #tpu.memory_space<semaphore_mem>>) src(%dma_wait3A_234 : memref<32xf32, #tpu.memory_space<hbm>>) dst(%arg10 : memref<32xf32, #tpu.memory_space<vmem>>)
      tpu.yield
    }) : () -> ()
    "tpu.region"() ({
      %run_scoped3A = tpu.sem_alloc : memref<!tpu.dma_semaphore, #tpu.memory_space<semaphore_mem>>
      tpu.enqueue_dma source(%arg5 : memref<32xi32, #tpu.memory_space<hbm>>) target(%arg18 : memref<32xi32, #tpu.memory_space<vmem>>) target_semaphore(%run_scoped3A : memref<!tpu.dma_semaphore, #tpu.memory_space<semaphore_mem>>)
      tpu.wait_dma2 semaphore(%run_scoped3A : memref<!tpu.dma_semaphore, #tpu.memory_space<semaphore_mem>>) src(%arg5 : memref<32xi32, #tpu.memory_space<hbm>>) dst(%arg18 : memref<32xi32, #tpu.memory_space<vmem>>)
      tpu.yield
    }) : () -> ()
    %get3A = arith.constant 0 : index
    %get3A_3 = tpu.vector_load %arg10[%get3A] {strides = array<i32>} : memref<32xf32, #tpu.memory_space<vmem>>, vector<16xf32>,
    %broadcast_in_dim3A = arith.constant 0 : i32
    %broadcast_in_dim3A_4 = vector.broadcast %broadcast_in_dim3A : i32 to vector<16xi32>
    %broadcast_in_dim3A_5 = arith.constant 1048576 : i32
    %broadcast_in_dim3A_6 = vector.broadcast %broadcast_in_dim3A_5 : i32 to vector<16xi32>
    %scan3A = arith.constant 0 : i32
    %scan3A_7 = arith.constant 11 : i32
    %scan3A_8 = arith.addi %scan3A, %scan3A_7 : i32
    %scan3A_9 = arith.constant 1 : i32
    %scan3A_10:2 = scf.for %scan3A_231 = %scan3A to %scan3A_8 step %scan3A_9 iter_args(%scan3A_232 = %broadcast_in_dim3A_4, %scan3A_233 = %broadcast_in_dim3A_6) -> (vector<16xi32>, vector<16xi32>)  : i32 {
      %sub3A = arith.subi %scan3A_233, %scan3A_232 : vector<16xi32>
      %shift_right_arithmetic3A_234 = arith.constant 1 : i32
      %shift_right_arithmetic3A_235 = vector.broadcast %shift_right_arithmetic3A_234 : i32 to vector<16xi32>
      %shift_right_arithmetic3A_236 = arith.shrsi %sub3A, %shift_right_arithmetic3A_235 : vector<16xi32>
      %add3A_237 = arith.addi %scan3A_232, %shift_right_arithmetic3A_236 : vector<16xi32>
      %shift_right_arithmetic3A_238 = arith.constant 9 : i32
      %shift_right_arithmetic3A_239 = vector.broadcast %shift_right_arithmetic3A_238 : i32 to vector<16xi32>
      %shift_right_arithmetic3A_240 = arith.shrsi %add3A_237, %shift_right_arithmetic3A_239 : vector<16xi32>
      %gather3A_241 = tpu.vector_load_idx %arg9[%shift_right_arithmetic3A_240] : memref<2048xf32, #tpu.memory_space<vmem>>[vector<16xi32>], vector<16xf32>,
      %le3A = arith.cmpf ole, %get3A_3, %gather3A_241 : vector<16xf32>
      %select_n3A = arith.select %le3A, %scan3A_232, %add3A_237 : vector<16xi1>, vector<16xi32>
      %select_n3A_242 = arith.select %le3A, %add3A_237, %scan3A_233 : vector<16xi1>, vector<16xi32>
      scf.yield %select_n3A, %select_n3A_242 : vector<16xi32>, vector<16xi32>
    }
    %scan3A_11 = arith.constant 11 : i32
    %shift_right_arithmetic3A = arith.constant 9 : i32
    %shift_right_arithmetic3A_12 = vector.broadcast %shift_right_arithmetic3A : i32 to vector<16xi32>
    %shift_right_arithmetic3A_13 = arith.shrsi %scan3A_10#0, %shift_right_arithmetic3A_12 : vector<16xi32>
    %swap3A = arith.constant 0 : index
    %swap3A_14 = tpu.vector_load %arg11[%swap3A] {strides = array<i32>} : memref<32xi32, #tpu.memory_space<vmem>>, vector<16xi32>,
    tpu.vector_store %arg11[%swap3A], %shift_right_arithmetic3A_13 {strides = array<i32>} : memref<32xi32, #tpu.memory_space<vmem>>, vector<16xi32>,
    %swap3A_15 = arith.constant 0 : index
    %swap3A_16 = tpu.vector_load %arg12[%swap3A_15] {strides = array<i32>} : memref<32xi32, #tpu.memory_space<vmem>>, vector<16xi32>,
    tpu.vector_store %arg12[%swap3A_15], %scan3A_10#0 {strides = array<i32>} : memref<32xi32, #tpu.memory_space<vmem>>, vector<16xi32>,
    %swap3A_17 = arith.constant 0 : index
    %swap3A_18 = tpu.vector_load %arg13[%swap3A_17] {strides = array<i32>} : memref<32xi32, #tpu.memory_space<vmem>>, vector<16xi32>,
    tpu.vector_store %arg13[%swap3A_17], %scan3A_10#1 {strides = array<i32>} : memref<32xi32, #tpu.memory_space<vmem>>, vector<16xi32>,
    %get3A_19 = arith.constant 16 : index
    %get3A_20 = tpu.vector_load %arg10[%get3A_19] {strides = array<i32>} : memref<32xf32, #tpu.memory_space<vmem>>, vector<16xf32>,
    %broadcast_in_dim3A_21 = arith.constant 0 : i32
    %broadcast_in_dim3A_22 = vector.broadcast %broadcast_in_dim3A_21 : i32 to vector<16xi32>
    %broadcast_in_dim3A_23 = arith.constant 1048576 : i32
    %broadcast_in_dim3A_24 = vector.broadcast %broadcast_in_dim3A_23 : i32 to vector<16xi32>
    %scan3A_25 = arith.constant 0 : i32
    %scan3A_26 = arith.constant 11 : i32
    %scan3A_27 = arith.addi %scan3A_25, %scan3A_26 : i32
    %scan3A_28 = arith.constant 1 : i32
    %scan3A_29:2 = scf.for %scan3A_231 = %scan3A_25 to %scan3A_27 step %scan3A_28 iter_args(%scan3A_232 = %broadcast_in_dim3A_22, %scan3A_233 = %broadcast_in_dim3A_24) -> (vector<16xi32>, vector<16xi32>)  : i32 {
      %sub3A = arith.subi %scan3A_233, %scan3A_232 : vector<16xi32>
      %shift_right_arithmetic3A_234 = arith.constant 1 : i32
      %shift_right_arithmetic3A_235 = vector.broadcast %shift_right_arithmetic3A_234 : i32 to vector<16xi32>
      %shift_right_arithmetic3A_236 = arith.shrsi %sub3A, %shift_right_arithmetic3A_235 : vector<16xi32>
      %add3A_237 = arith.addi %scan3A_232, %shift_right_arithmetic3A_236 : vector<16xi32>
      %shift_right_arithmetic3A_238 = arith.constant 9 : i32
      %shift_right_arithmetic3A_239 = vector.broadcast %shift_right_arithmetic3A_238 : i32 to vector<16xi32>
      %shift_right_arithmetic3A_240 = arith.shrsi %add3A_237, %shift_right_arithmetic3A_239 : vector<16xi32>
      %gather3A_241 = tpu.vector_load_idx %arg9[%shift_right_arithmetic3A_240] : memref<2048xf32, #tpu.memory_space<vmem>>[vector<16xi32>], vector<16xf32>,
      %le3A = arith.cmpf ole, %get3A_20, %gather3A_241 : vector<16xf32>
      %select_n3A = arith.select %le3A, %scan3A_232, %add3A_237 : vector<16xi1>, vector<16xi32>
      %select_n3A_242 = arith.select %le3A, %add3A_237, %scan3A_233 : vector<16xi1>, vector<16xi32>
      scf.yield %select_n3A, %select_n3A_242 : vector<16xi32>, vector<16xi32>
    }
    %scan3A_30 = arith.constant 11 : i32
    %shift_right_arithmetic3A_31 = arith.constant 9 : i32
    %shift_right_arithmetic3A_32 = vector.broadcast %shift_right_arithmetic3A_31 : i32 to vector<16xi32>
    %shift_right_arithmetic3A_33 = arith.shrsi %scan3A_29#0, %shift_right_arithmetic3A_32 : vector<16xi32>
    %swap3A_34 = arith.constant 16 : index
    %swap3A_35 = tpu.vector_load %arg11[%swap3A_34] {strides = array<i32>} : memref<32xi32, #tpu.memory_space<vmem>>, vector<16xi32>,
    tpu.vector_store %arg11[%swap3A_34], %shift_right_arithmetic3A_33 {strides = array<i32>} : memref<32xi32, #tpu.memory_space<vmem>>, vector<16xi32>,
    %swap3A_36 = arith.constant 16 : index
    %swap3A_37 = tpu.vector_load %arg12[%swap3A_36] {strides = array<i32>} : memref<32xi32, #tpu.memory_space<vmem>>, vector<16xi32>,
    tpu.vector_store %arg12[%swap3A_36], %scan3A_29#0 {strides = array<i32>} : memref<32xi32, #tpu.memory_space<vmem>>, vector<16xi32>,
    %swap3A_38 = arith.constant 16 : index
    %swap3A_39 = tpu.vector_load %arg13[%swap3A_38] {strides = array<i32>} : memref<32xi32, #tpu.memory_space<vmem>>, vector<16xi32>,
    tpu.vector_store %arg13[%swap3A_38], %scan3A_29#1 {strides = array<i32>} : memref<32xi32, #tpu.memory_space<vmem>>, vector<16xi32>,
    %dma_start3A = arith.constant 0 : i32
    %dma_start3A_40 = arith.constant 0 : i32
    %dma_start3A_41 = tpu.memref_slice %arg2[%dma_start3A, %dma_start3A_40] : memref<2048x512xf32, #tpu.memory_space<hbm>> -> memref<2048x512xf32, #tpu.memory_space<hbm>>
    tpu.enqueue_indirect_dma source(%dma_start3A_41 : memref<2048x512xf32, #tpu.memory_space<hbm>>) target(%arg14 : memref<32x512xf32, #tpu.memory_space<vmem>>) offsets(%arg11 : memref<32xi32, #tpu.memory_space<vmem>>) semaphore(%arg22 : memref<!tpu.dma_semaphore, #tpu.memory_space<semaphore_mem>>)
    %dma_wait3A = arith.constant 0 : i32
    %dma_wait3A_42 = arith.constant 0 : i32
    %dma_wait3A_43 = tpu.memref_slice %arg2[%dma_wait3A, %dma_wait3A_42] : memref<2048x512xf32, #tpu.memory_space<hbm>> -> memref<2048x512xf32, #tpu.memory_space<hbm>>
    tpu.wait_indirect_dma semaphore(%arg22 : memref<!tpu.dma_semaphore, #tpu.memory_space<semaphore_mem>>) src(%dma_wait3A_43 : memref<2048x512xf32, #tpu.memory_space<hbm>>) dst(%arg14 : memref<32x512xf32, #tpu.memory_space<vmem>>)
    %get3A_44 = arith.constant 0 : index
    %get3A_45 = tpu.vector_load %arg10[%get3A_44] {strides = array<i32>} : memref<32xf32, #tpu.memory_space<vmem>>, vector<16xf32>,
    %get3A_46 = arith.constant 0 : index
    %get3A_47 = tpu.vector_load %arg12[%get3A_46] {strides = array<i32>} : memref<32xi32, #tpu.memory_space<vmem>>, vector<16xi32>,
    %get3A_48 = arith.constant 0 : index
    %get3A_49 = tpu.vector_load %arg13[%get3A_48] {strides = array<i32>} : memref<32xi32, #tpu.memory_space<vmem>>, vector<16xi32>,
    %iota3A = tpu.iota {dimensions = array<i32: 0>} : vector<16xi32>
    %add3A_50 = arith.constant 0 : i32
    %add3A_51 = vector.broadcast %add3A_50 : i32 to vector<16xi32>
    %add3A_52 = arith.addi %iota3A, %add3A_51 : vector<16xi32>
    %scan3A_53 = arith.constant 0 : i32
    %scan3A_54 = arith.constant 10 : i32
    %scan3A_55 = arith.addi %scan3A_53, %scan3A_54 : i32
    %scan3A_56 = arith.constant 1 : i32
    %scan3A_57:2 = scf.for %scan3A_231 = %scan3A_53 to %scan3A_55 step %scan3A_56 iter_args(%scan3A_232 = %get3A_47, %scan3A_233 = %get3A_49) -> (vector<16xi32>, vector<16xi32>)  : i32 {
      %sub3A = arith.subi %scan3A_233, %scan3A_232 : vector<16xi32>
      %shift_right_arithmetic3A_234 = arith.constant 1 : i32
      %shift_right_arithmetic3A_235 = vector.broadcast %shift_right_arithmetic3A_234 : i32 to vector<16xi32>
      %shift_right_arithmetic3A_236 = arith.shrsi %sub3A, %shift_right_arithmetic3A_235 : vector<16xi32>
      %add3A_237 = arith.addi %scan3A_232, %shift_right_arithmetic3A_236 : vector<16xi32>
      %sub3A_238 = arith.subi %add3A_237, %get3A_47 : vector<16xi32>
      %gather3A_239 = tpu.vector_load_idx %arg14[%add3A_52, %sub3A_238] : memref<32x512xf32, #tpu.memory_space<vmem>>[vector<16xi32>, vector<16xi32>], vector<16xf32>,
      %le3A = arith.cmpf ole, %get3A_45, %gather3A_239 : vector<16xf32>
      %select_n3A = arith.select %le3A, %scan3A_232, %add3A_237 : vector<16xi1>, vector<16xi32>
      %select_n3A_240 = arith.select %le3A, %add3A_237, %scan3A_233 : vector<16xi1>, vector<16xi32>
      scf.yield %select_n3A, %select_n3A_240 : vector<16xi32>, vector<16xi32>
    }
    %scan3A_58 = arith.constant 10 : i32
    %swap3A_59 = arith.constant 0 : index
    %swap3A_60 = tpu.vector_load %arg15[%swap3A_59] {strides = array<i32>} : memref<32xi32, #tpu.memory_space<vmem>>, vector<16xi32>,
    tpu.vector_store %arg15[%swap3A_59], %scan3A_57#1 {strides = array<i32>} : memref<32xi32, #tpu.memory_space<vmem>>, vector<16xi32>,
    %get3A_61 = arith.constant 16 : index
    %get3A_62 = tpu.vector_load %arg10[%get3A_61] {strides = array<i32>} : memref<32xf32, #tpu.memory_space<vmem>>, vector<16xf32>,
    %get3A_63 = arith.constant 16 : index
    %get3A_64 = tpu.vector_load %arg12[%get3A_63] {strides = array<i32>} : memref<32xi32, #tpu.memory_space<vmem>>, vector<16xi32>,
    %get3A_65 = arith.constant 16 : index
    %get3A_66 = tpu.vector_load %arg13[%get3A_65] {strides = array<i32>} : memref<32xi32, #tpu.memory_space<vmem>>, vector<16xi32>,
    %iota3A_67 = tpu.iota {dimensions = array<i32: 0>} : vector<16xi32>
    %add3A_68 = arith.constant 16 : i32
    %add3A_69 = vector.broadcast %add3A_68 : i32 to vector<16xi32>
    %add3A_70 = arith.addi %iota3A_67, %add3A_69 : vector<16xi32>
    %scan3A_71 = arith.constant 0 : i32
    %scan3A_72 = arith.constant 10 : i32
    %scan3A_73 = arith.addi %scan3A_71, %scan3A_72 : i32
    %scan3A_74 = arith.constant 1 : i32
    %scan3A_75:2 = scf.for %scan3A_231 = %scan3A_71 to %scan3A_73 step %scan3A_74 iter_args(%scan3A_232 = %get3A_64, %scan3A_233 = %get3A_66) -> (vector<16xi32>, vector<16xi32>)  : i32 {
      %sub3A = arith.subi %scan3A_233, %scan3A_232 : vector<16xi32>
      %shift_right_arithmetic3A_234 = arith.constant 1 : i32
      %shift_right_arithmetic3A_235 = vector.broadcast %shift_right_arithmetic3A_234 : i32 to vector<16xi32>
      %shift_right_arithmetic3A_236 = arith.shrsi %sub3A, %shift_right_arithmetic3A_235 : vector<16xi32>
      %add3A_237 = arith.addi %scan3A_232, %shift_right_arithmetic3A_236 : vector<16xi32>
      %sub3A_238 = arith.subi %add3A_237, %get3A_64 : vector<16xi32>
      %gather3A_239 = tpu.vector_load_idx %arg14[%add3A_70, %sub3A_238] : memref<32x512xf32, #tpu.memory_space<vmem>>[vector<16xi32>, vector<16xi32>], vector<16xf32>,
      %le3A = arith.cmpf ole, %get3A_62, %gather3A_239 : vector<16xf32>
      %select_n3A = arith.select %le3A, %scan3A_232, %add3A_237 : vector<16xi1>, vector<16xi32>
      %select_n3A_240 = arith.select %le3A, %add3A_237, %scan3A_233 : vector<16xi1>, vector<16xi32>
      scf.yield %select_n3A, %select_n3A_240 : vector<16xi32>, vector<16xi32>
    }
    %scan3A_76 = arith.constant 10 : i32
    %swap3A_77 = arith.constant 16 : index
    %swap3A_78 = tpu.vector_load %arg15[%swap3A_77] {strides = array<i32>} : memref<32xi32, #tpu.memory_space<vmem>>, vector<16xi32>,
    tpu.vector_store %arg15[%swap3A_77], %scan3A_75#1 {strides = array<i32>} : memref<32xi32, #tpu.memory_space<vmem>>, vector<16xi32>,
    %iota3A_79 = tpu.iota {dimensions = array<i32: 0>} : vector<16xi32>
    %add3A_80 = arith.constant 0 : i32
    %add3A_81 = vector.broadcast %add3A_80 : i32 to vector<16xi32>
    %add3A_82 = arith.addi %iota3A_79, %add3A_81 : vector<16xi32>
    %gather3A = tpu.vector_load_idx %arg15[%add3A_82] : memref<32xi32, #tpu.memory_space<vmem>>[vector<16xi32>], vector<16xi32>,
    %shift_right_arithmetic3A_83 = arith.constant 7 : i32
    %shift_right_arithmetic3A_84 = vector.broadcast %shift_right_arithmetic3A_83 : i32 to vector<16xi32>
    %shift_right_arithmetic3A_85 = arith.shrsi %gather3A, %shift_right_arithmetic3A_84 : vector<16xi32>
    %add3A_86 = arith.constant 0 : i32
    %add3A_87 = vector.broadcast %add3A_86 : i32 to vector<16xi32>
    %add3A_88 = arith.addi %add3A_87, %shift_right_arithmetic3A_85 : vector<16xi32>
    %swap3A_89 = arith.constant 0 : index
    %swap3A_90 = tpu.vector_load %arg16[%swap3A_89] {strides = array<i32>} : memref<96xi32, #tpu.memory_space<vmem>>, vector<16xi32>,
    tpu.vector_store %arg16[%swap3A_89], %add3A_88 {strides = array<i32>} : memref<96xi32, #tpu.memory_space<vmem>>, vector<16xi32>,
    %iota3A_91 = tpu.iota {dimensions = array<i32: 0>} : vector<16xi32>
    %add3A_92 = arith.constant 16 : i32
    %add3A_93 = vector.broadcast %add3A_92 : i32 to vector<16xi32>
    %add3A_94 = arith.addi %iota3A_91, %add3A_93 : vector<16xi32>
    %gather3A_95 = tpu.vector_load_idx %arg15[%add3A_94] : memref<32xi32, #tpu.memory_space<vmem>>[vector<16xi32>], vector<16xi32>,
    %shift_right_arithmetic3A_96 = arith.constant 7 : i32
    %shift_right_arithmetic3A_97 = vector.broadcast %shift_right_arithmetic3A_96 : i32 to vector<16xi32>
    %shift_right_arithmetic3A_98 = arith.shrsi %gather3A_95, %shift_right_arithmetic3A_97 : vector<16xi32>
    %add3A_99 = arith.constant 0 : i32
    %add3A_100 = vector.broadcast %add3A_99 : i32 to vector<16xi32>
    %add3A_101 = arith.addi %add3A_100, %shift_right_arithmetic3A_98 : vector<16xi32>
    %swap3A_102 = arith.constant 16 : index
    %swap3A_103 = tpu.vector_load %arg16[%swap3A_102] {strides = array<i32>} : memref<96xi32, #tpu.memory_space<vmem>>, vector<16xi32>,
    tpu.vector_store %arg16[%swap3A_102], %add3A_101 {strides = array<i32>} : memref<96xi32, #tpu.memory_space<vmem>>, vector<16xi32>,
    %iota3A_104 = tpu.iota {dimensions = array<i32: 0>} : vector<16xi32>
    %add3A_105 = arith.constant 0 : i32
    %add3A_106 = vector.broadcast %add3A_105 : i32 to vector<16xi32>
    %add3A_107 = arith.addi %iota3A_104, %add3A_106 : vector<16xi32>
    %gather3A_108 = tpu.vector_load_idx %arg15[%add3A_107] : memref<32xi32, #tpu.memory_space<vmem>>[vector<16xi32>], vector<16xi32>,
    %shift_right_arithmetic3A_109 = arith.constant 7 : i32
    %shift_right_arithmetic3A_110 = vector.broadcast %shift_right_arithmetic3A_109 : i32 to vector<16xi32>
    %shift_right_arithmetic3A_111 = arith.shrsi %gather3A_108, %shift_right_arithmetic3A_110 : vector<16xi32>
    %add3A_112 = arith.constant 8192 : i32
    %add3A_113 = vector.broadcast %add3A_112 : i32 to vector<16xi32>
    %add3A_114 = arith.addi %add3A_113, %shift_right_arithmetic3A_111 : vector<16xi32>
    %swap3A_115 = arith.constant 32 : index
    %swap3A_116 = tpu.vector_load %arg16[%swap3A_115] {strides = array<i32>} : memref<96xi32, #tpu.memory_space<vmem>>, vector<16xi32>,
    tpu.vector_store %arg16[%swap3A_115], %add3A_114 {strides = array<i32>} : memref<96xi32, #tpu.memory_space<vmem>>, vector<16xi32>,
    %iota3A_117 = tpu.iota {dimensions = array<i32: 0>} : vector<16xi32>
    %add3A_118 = arith.constant 16 : i32
    %add3A_119 = vector.broadcast %add3A_118 : i32 to vector<16xi32>
    %add3A_120 = arith.addi %iota3A_117, %add3A_119 : vector<16xi32>
    %gather3A_121 = tpu.vector_load_idx %arg15[%add3A_120] : memref<32xi32, #tpu.memory_space<vmem>>[vector<16xi32>], vector<16xi32>,
    %shift_right_arithmetic3A_122 = arith.constant 7 : i32
    %shift_right_arithmetic3A_123 = vector.broadcast %shift_right_arithmetic3A_122 : i32 to vector<16xi32>
    %shift_right_arithmetic3A_124 = arith.shrsi %gather3A_121, %shift_right_arithmetic3A_123 : vector<16xi32>
    %add3A_125 = arith.constant 8192 : i32
    %add3A_126 = vector.broadcast %add3A_125 : i32 to vector<16xi32>
    %add3A_127 = arith.addi %add3A_126, %shift_right_arithmetic3A_124 : vector<16xi32>
    %swap3A_128 = arith.constant 48 : index
    %swap3A_129 = tpu.vector_load %arg16[%swap3A_128] {strides = array<i32>} : memref<96xi32, #tpu.memory_space<vmem>>, vector<16xi32>,
    tpu.vector_store %arg16[%swap3A_128], %add3A_127 {strides = array<i32>} : memref<96xi32, #tpu.memory_space<vmem>>, vector<16xi32>,
    %iota3A_130 = tpu.iota {dimensions = array<i32: 0>} : vector<16xi32>
    %add3A_131 = arith.constant 0 : i32
    %add3A_132 = vector.broadcast %add3A_131 : i32 to vector<16xi32>
    %add3A_133 = arith.addi %iota3A_130, %add3A_132 : vector<16xi32>
    %gather3A_134 = tpu.vector_load_idx %arg15[%add3A_133] : memref<32xi32, #tpu.memory_space<vmem>>[vector<16xi32>], vector<16xi32>,
    %shift_right_arithmetic3A_135 = arith.constant 7 : i32
    %shift_right_arithmetic3A_136 = vector.broadcast %shift_right_arithmetic3A_135 : i32 to vector<16xi32>
    %shift_right_arithmetic3A_137 = arith.shrsi %gather3A_134, %shift_right_arithmetic3A_136 : vector<16xi32>
    %add3A_138 = arith.constant 16384 : i32
    %add3A_139 = vector.broadcast %add3A_138 : i32 to vector<16xi32>
    %add3A_140 = arith.addi %add3A_139, %shift_right_arithmetic3A_137 : vector<16xi32>
    %swap3A_141 = arith.constant 64 : index
    %swap3A_142 = tpu.vector_load %arg16[%swap3A_141] {strides = array<i32>} : memref<96xi32, #tpu.memory_space<vmem>>, vector<16xi32>,
    tpu.vector_store %arg16[%swap3A_141], %add3A_140 {strides = array<i32>} : memref<96xi32, #tpu.memory_space<vmem>>, vector<16xi32>,
    %iota3A_143 = tpu.iota {dimensions = array<i32: 0>} : vector<16xi32>
    %add3A_144 = arith.constant 16 : i32
    %add3A_145 = vector.broadcast %add3A_144 : i32 to vector<16xi32>
    %add3A_146 = arith.addi %iota3A_143, %add3A_145 : vector<16xi32>
    %gather3A_147 = tpu.vector_load_idx %arg15[%add3A_146] : memref<32xi32, #tpu.memory_space<vmem>>[vector<16xi32>], vector<16xi32>,
    %shift_right_arithmetic3A_148 = arith.constant 7 : i32
    %shift_right_arithmetic3A_149 = vector.broadcast %shift_right_arithmetic3A_148 : i32 to vector<16xi32>
    %shift_right_arithmetic3A_150 = arith.shrsi %gather3A_147, %shift_right_arithmetic3A_149 : vector<16xi32>
    %add3A_151 = arith.constant 16384 : i32
    %add3A_152 = vector.broadcast %add3A_151 : i32 to vector<16xi32>
    %add3A_153 = arith.addi %add3A_152, %shift_right_arithmetic3A_150 : vector<16xi32>
    %swap3A_154 = arith.constant 80 : index
    %swap3A_155 = tpu.vector_load %arg16[%swap3A_154] {strides = array<i32>} : memref<96xi32, #tpu.memory_space<vmem>>, vector<16xi32>,
    tpu.vector_store %arg16[%swap3A_154], %add3A_153 {strides = array<i32>} : memref<96xi32, #tpu.memory_space<vmem>>, vector<16xi32>,
    %dma_start3A_156 = arith.constant 0 : i32
    %dma_start3A_157 = arith.constant 0 : i32
    %dma_start3A_158 = tpu.memref_slice %arg7[%dma_start3A_156, %dma_start3A_157] : memref<24576x128xf32, #tpu.memory_space<hbm>> -> memref<24576x128xf32, #tpu.memory_space<hbm>>
    tpu.enqueue_indirect_dma source(%dma_start3A_158 : memref<24576x128xf32, #tpu.memory_space<hbm>>) target(%arg17 : memref<96x128xf32, #tpu.memory_space<vmem>>) offsets(%arg16 : memref<96xi32, #tpu.memory_space<vmem>>) semaphore(%arg22 : memref<!tpu.dma_semaphore, #tpu.memory_space<semaphore_mem>>)
    %dma_wait3A_159 = arith.constant 0 : i32
    %dma_wait3A_160 = arith.constant 0 : i32
    %dma_wait3A_161 = tpu.memref_slice %arg7[%dma_wait3A_159, %dma_wait3A_160] : memref<24576x128xf32, #tpu.memory_space<hbm>> -> memref<24576x128xf32, #tpu.memory_space<hbm>>
    tpu.wait_indirect_dma semaphore(%arg22 : memref<!tpu.dma_semaphore, #tpu.memory_space<semaphore_mem>>) src(%dma_wait3A_161 : memref<24576x128xf32, #tpu.memory_space<hbm>>) dst(%arg17 : memref<96x128xf32, #tpu.memory_space<vmem>>)
    "tpu.region"() ({
      %run_scoped3A = tpu.sem_alloc : memref<!tpu.dma_semaphore, #tpu.memory_space<semaphore_mem>>
      tpu.enqueue_dma source(%arg6 : memref<4096xf32, #tpu.memory_space<hbm>>) target(%arg19 : memref<4096xf32, #tpu.memory_space<vmem>>) target_semaphore(%run_scoped3A : memref<!tpu.dma_semaphore, #tpu.memory_space<semaphore_mem>>)
      tpu.wait_dma2 semaphore(%run_scoped3A : memref<!tpu.dma_semaphore, #tpu.memory_space<semaphore_mem>>) src(%arg6 : memref<4096xf32, #tpu.memory_space<hbm>>) dst(%arg19 : memref<4096xf32, #tpu.memory_space<vmem>>)
      tpu.yield
    }) : () -> ()
    %iota3A_162 = tpu.iota {dimensions = array<i32: 0>} : vector<16xi32>
    %add3A_163 = arith.constant 0 : i32
    %add3A_164 = vector.broadcast %add3A_163 : i32 to vector<16xi32>
    %add3A_165 = arith.addi %iota3A_162, %add3A_164 : vector<16xi32>
    %gather3A_166 = tpu.vector_load_idx %arg18[%add3A_165] : memref<32xi32, #tpu.memory_space<vmem>>[vector<16xi32>], vector<16xi32>,
    %gather3A_167 = tpu.vector_load_idx %arg19[%gather3A_166] : memref<4096xf32, #tpu.memory_space<vmem>>[vector<16xi32>], vector<16xf32>,
    %swap3A_168 = arith.constant 0 : index
    %swap3A_169 = tpu.vector_load %arg20[%swap3A_168] {strides = array<i32>} : memref<32xf32, #tpu.memory_space<vmem>>, vector<16xf32>,
    tpu.vector_store %arg20[%swap3A_168], %gather3A_167 {strides = array<i32>} : memref<32xf32, #tpu.memory_space<vmem>>, vector<16xf32>,
    %iota3A_170 = tpu.iota {dimensions = array<i32: 0>} : vector<16xi32>
    %add3A_171 = arith.constant 16 : i32
    %add3A_172 = vector.broadcast %add3A_171 : i32 to vector<16xi32>
    %add3A_173 = arith.addi %iota3A_170, %add3A_172 : vector<16xi32>
    %gather3A_174 = tpu.vector_load_idx %arg18[%add3A_173] : memref<32xi32, #tpu.memory_space<vmem>>[vector<16xi32>], vector<16xi32>,
    %gather3A_175 = tpu.vector_load_idx %arg19[%gather3A_174] : memref<4096xf32, #tpu.memory_space<vmem>>[vector<16xi32>], vector<16xf32>,
    %swap3A_176 = arith.constant 16 : index
    %swap3A_177 = tpu.vector_load %arg20[%swap3A_176] {strides = array<i32>} : memref<32xf32, #tpu.memory_space<vmem>>, vector<16xf32>,
    tpu.vector_store %arg20[%swap3A_176], %gather3A_175 {strides = array<i32>} : memref<32xf32, #tpu.memory_space<vmem>>, vector<16xf32>,
    %iota3A_178 = tpu.iota {dimensions = array<i32: 0>} : vector<16xi32>
    %add3A_179 = arith.constant 0 : i32
    %add3A_180 = vector.broadcast %add3A_179 : i32 to vector<16xi32>
    %add3A_181 = arith.addi %iota3A_178, %add3A_180 : vector<16xi32>
    %gather3A_182 = tpu.vector_load_idx %arg15[%add3A_181] : memref<32xi32, #tpu.memory_space<vmem>>[vector<16xi32>], vector<16xi32>,
    %and3A = arith.constant 127 : i32
    %and3A_183 = vector.broadcast %and3A : i32 to vector<16xi32>
    %and3A_184 = arith.andi %gather3A_182, %and3A_183 : vector<16xi32>
    %add3A_185 = arith.constant 0 : i32
    %add3A_186 = vector.broadcast %add3A_185 : i32 to vector<16xi32>
    %add3A_187 = arith.addi %add3A_181, %add3A_186 : vector<16xi32>
    %gather3A_188 = tpu.vector_load_idx %arg17[%add3A_187, %and3A_184] : memref<96x128xf32, #tpu.memory_space<vmem>>[vector<16xi32>, vector<16xi32>], vector<16xf32>,
    %add3A_189 = arith.constant 32 : i32
    %add3A_190 = vector.broadcast %add3A_189 : i32 to vector<16xi32>
    %add3A_191 = arith.addi %add3A_181, %add3A_190 : vector<16xi32>
    %gather3A_192 = tpu.vector_load_idx %arg17[%add3A_191, %and3A_184] : memref<96x128xf32, #tpu.memory_space<vmem>>[vector<16xi32>, vector<16xi32>], vector<16xf32>,
    %add3A_193 = arith.constant 64 : i32
    %add3A_194 = vector.broadcast %add3A_193 : i32 to vector<16xi32>
    %add3A_195 = arith.addi %add3A_181, %add3A_194 : vector<16xi32>
    %gather3A_196 = tpu.vector_load_idx %arg17[%add3A_195, %and3A_184] : memref<96x128xf32, #tpu.memory_space<vmem>>[vector<16xi32>, vector<16xi32>], vector<16xf32>,
    %scan3A_197 = arith.constant 0 : i32
    %scan3A_198 = arith.constant 0 : i32
    %scan3A_199 = arith.constant 32 : i32
    %scan3A_200 = arith.addi %scan3A_198, %scan3A_199 : i32
    %scan3A_201 = arith.constant 1 : i32
    scf.for %scan3A_231 = %scan3A_198 to %scan3A_200 step %scan3A_201  : i32 {
      %broadcast_in_dim3A_232 = vector.broadcast %scan3A_231 : i32 to vector<16xi32>
      %mul3A_233 = arith.constant 4 : i32
      %mul3A_234 = vector.broadcast %mul3A_233 : i32 to vector<16xi32>
      %mul3A_235 = arith.muli %add3A_181, %mul3A_234 : vector<16xi32>
      %gather3A_236 = tpu.vector_load_idx %arg20[%broadcast_in_dim3A_232] : memref<32xf32, #tpu.memory_space<vmem>>[vector<16xi32>], vector<16xf32>,
      tpu.vector_store_idx %arg21[%broadcast_in_dim3A_232, %mul3A_235], %gather3A_236 : memref<32x128xf32, #tpu.memory_space<vmem>>[vector<16xi32>, vector<16xi32>], vector<16xf32>,
      %add3A_237 = arith.constant 1 : i32
      %add3A_238 = vector.broadcast %add3A_237 : i32 to vector<16xi32>
      %add3A_239 = arith.addi %mul3A_235, %add3A_238 : vector<16xi32>
      tpu.vector_store_idx %arg21[%broadcast_in_dim3A_232, %add3A_239], %gather3A_188 : memref<32x128xf32, #tpu.memory_space<vmem>>[vector<16xi32>, vector<16xi32>], vector<16xf32>,
      %add3A_240 = arith.constant 2 : i32
      %add3A_241 = vector.broadcast %add3A_240 : i32 to vector<16xi32>
      %add3A_242 = arith.addi %mul3A_235, %add3A_241 : vector<16xi32>
      tpu.vector_store_idx %arg21[%broadcast_in_dim3A_232, %add3A_242], %gather3A_192 : memref<32x128xf32, #tpu.memory_space<vmem>>[vector<16xi32>, vector<16xi32>], vector<16xf32>,
      %add3A_243 = arith.constant 3 : i32
      %add3A_244 = vector.broadcast %add3A_243 : i32 to vector<16xi32>
      %add3A_245 = arith.addi %mul3A_235, %add3A_244 : vector<16xi32>
      tpu.vector_store_idx %arg21[%broadcast_in_dim3A_232, %add3A_245], %gather3A_196 : memref<32x128xf32, #tpu.memory_space<vmem>>[vector<16xi32>, vector<16xi32>], vector<16xf32>,
    }
    %scan3A_202 = arith.constant 32 : i32
    %iota3A_203 = tpu.iota {dimensions = array<i32: 0>} : vector<16xi32>
    %add3A_204 = arith.constant 16 : i32
    %add3A_205 = vector.broadcast %add3A_204 : i32 to vector<16xi32>
    %add3A_206 = arith.addi %iota3A_203, %add3A_205 : vector<16xi32>
    %gather3A_207 = tpu.vector_load_idx %arg15[%add3A_206] : memref<32xi32, #tpu.memory_space<vmem>>[vector<16xi32>], vector<16xi32>,
    %and3A_208 = arith.constant 127 : i32
    %and3A_209 = vector.broadcast %and3A_208 : i32 to vector<16xi32>
    %and3A_210 = arith.andi %gather3A_207, %and3A_209 : vector<16xi32>
    %add3A_211 = arith.constant 0 : i32
    %add3A_212 = vector.broadcast %add3A_211 : i32 to vector<16xi32>
    %add3A_213 = arith.addi %add3A_206, %add3A_212 : vector<16xi32>
    %gather3A_214 = tpu.vector_load_idx %arg17[%add3A_213, %and3A_210] : memref<96x128xf32, #tpu.memory_space<vmem>>[vector<16xi32>, vector<16xi32>], vector<16xf32>,
    %add3A_215 = arith.constant 32 : i32
    %add3A_216 = vector.broadcast %add3A_215 : i32 to vector<16xi32>
    %add3A_217 = arith.addi %add3A_206, %add3A_216 : vector<16xi32>
    %gather3A_218 = tpu.vector_load_idx %arg17[%add3A_217, %and3A_210] : memref<96x128xf32, #tpu.memory_space<vmem>>[vector<16xi32>, vector<16xi32>], vector<16xf32>,
    %add3A_219 = arith.constant 64 : i32
    %add3A_220 = vector.broadcast %add3A_219 : i32 to vector<16xi32>
    %add3A_221 = arith.addi %add3A_206, %add3A_220 : vector<16xi32>
    %gather3A_222 = tpu.vector_load_idx %arg17[%add3A_221, %and3A_210] : memref<96x128xf32, #tpu.memory_space<vmem>>[vector<16xi32>, vector<16xi32>], vector<16xf32>,
    %scan3A_223 = arith.constant 0 : i32
    %scan3A_224 = arith.constant 0 : i32
    %scan3A_225 = arith.constant 32 : i32
    %scan3A_226 = arith.addi %scan3A_224, %scan3A_225 : i32
    %scan3A_227 = arith.constant 1 : i32
    scf.for %scan3A_231 = %scan3A_224 to %scan3A_226 step %scan3A_227  : i32 {
      %broadcast_in_dim3A_232 = vector.broadcast %scan3A_231 : i32 to vector<16xi32>
      %mul3A_233 = arith.constant 4 : i32
      %mul3A_234 = vector.broadcast %mul3A_233 : i32 to vector<16xi32>
      %mul3A_235 = arith.muli %add3A_206, %mul3A_234 : vector<16xi32>
      %gather3A_236 = tpu.vector_load_idx %arg20[%broadcast_in_dim3A_232] : memref<32xf32, #tpu.memory_space<vmem>>[vector<16xi32>], vector<16xf32>,
      tpu.vector_store_idx %arg21[%broadcast_in_dim3A_232, %mul3A_235], %gather3A_236 : memref<32x128xf32, #tpu.memory_space<vmem>>[vector<16xi32>, vector<16xi32>], vector<16xf32>,
      %add3A_237 = arith.constant 1 : i32
      %add3A_238 = vector.broadcast %add3A_237 : i32 to vector<16xi32>
      %add3A_239 = arith.addi %mul3A_235, %add3A_238 : vector<16xi32>
      tpu.vector_store_idx %arg21[%broadcast_in_dim3A_232, %add3A_239], %gather3A_214 : memref<32x128xf32, #tpu.memory_space<vmem>>[vector<16xi32>, vector<16xi32>], vector<16xf32>,
      %add3A_240 = arith.constant 2 : i32
      %add3A_241 = vector.broadcast %add3A_240 : i32 to vector<16xi32>
      %add3A_242 = arith.addi %mul3A_235, %add3A_241 : vector<16xi32>
      tpu.vector_store_idx %arg21[%broadcast_in_dim3A_232, %add3A_242], %gather3A_218 : memref<32x128xf32, #tpu.memory_space<vmem>>[vector<16xi32>, vector<16xi32>], vector<16xf32>,
      %add3A_243 = arith.constant 3 : i32
      %add3A_244 = vector.broadcast %add3A_243 : i32 to vector<16xi32>
      %add3A_245 = arith.addi %mul3A_235, %add3A_244 : vector<16xi32>
      tpu.vector_store_idx %arg21[%broadcast_in_dim3A_232, %add3A_245], %gather3A_222 : memref<32x128xf32, #tpu.memory_space<vmem>>[vector<16xi32>, vector<16xi32>], vector<16xf32>,
    }
    %scan3A_228 = arith.constant 32 : i32
    %mul3A_229 = arith.constant 4 : i32
    %mul3A_230 = arith.muli %mul3A_2, %mul3A_229 : i32
    "tpu.region"() ({
      %run_scoped3A = tpu.sem_alloc : memref<!tpu.dma_semaphore, #tpu.memory_space<semaphore_mem>>
      %dma_start3A_231 = arith.constant 0 : i32
      %dma_start3A_232 = tpu.memref_slice %arg8[%dma_start3A_231, %mul3A_230] : memref<32x4096xf32, #tpu.memory_space<hbm>> -> memref<32x128xf32, #tpu.memory_space<hbm>>
      %dma_start3A_233 = arith.constant 0 : i32
      %dma_start3A_234 = tpu.memref_slice %arg8[%dma_start3A_233, %mul3A_230] : memref<32x4096xf32, #tpu.memory_space<hbm>> -> memref<32x128xf32, #tpu.memory_space<hbm>>
      tpu.enqueue_dma source(%arg21 : memref<32x128xf32, #tpu.memory_space<vmem>>) target(%dma_start3A_234 : memref<32x128xf32, #tpu.memory_space<hbm>>) target_semaphore(%run_scoped3A : memref<!tpu.dma_semaphore, #tpu.memory_space<semaphore_mem>>)
      %dma_wait3A_235 = arith.constant 0 : i32
      %dma_wait3A_236 = tpu.memref_slice %arg8[%dma_wait3A_235, %mul3A_230] : memref<32x4096xf32, #tpu.memory_space<hbm>> -> memref<32x128xf32, #tpu.memory_space<hbm>>
      %dma_wait3A_237 = arith.constant 0 : i32
      %dma_wait3A_238 = tpu.memref_slice %arg8[%dma_wait3A_237, %mul3A_230] : memref<32x4096xf32, #tpu.memory_space<hbm>> -> memref<32x128xf32, #tpu.memory_space<hbm>>
      tpu.wait_dma2 semaphore(%run_scoped3A : memref<!tpu.dma_semaphore, #tpu.memory_space<semaphore_mem>>) src(%arg21 : memref<32x128xf32, #tpu.memory_space<vmem>>) dst(%dma_wait3A_238 : memref<32x128xf32, #tpu.memory_space<hbm>>)
      tpu.yield
    }) : () -> ()
    return
  }
}

</mosaic_0001>

<sc_bundles>
// kernel: kernel.3.cloned.1.call-start
scs
__scs_entry_jumppad:
0x0: {  	(pc) =	sbr.rel $0x88, $3  }
0x1: {  	(tag) =	ssettag $0x0;
	lr =	simm.s32 $0x1  }
0x2: {  	[smem:$0x3F9E] =	sst lr;
	_ =	strace $0xD0000000  }
0x3: {  	_ = 	snop  }
0x4: {  	_ = 	snop  }
0x5: {  	_ = 	snop  }
0x6: {  	_ = 	snop  }
0x7: {  	_ = 	snop  }
__scs_overlays_trampoline_lowered:
0x8: {  	[smem:$0x3FAD] =	sst s0  }
0x9: {  	[smem:$0x3FAE] =	sst s1  }
0xa: {  	[smem:$0x3FAF] =	sst s2  }
0xb: {  	[smem:$0x3FB0] =	sst s3  }
0xc: {  	[smem:$0x3FB1] =	sst s4  }
0xd: {  	[smem:$0x3FB2] =	sst s5  }
0xe: {  	[smem:$0x3FB3] =	sst s6  }
0xf: {  	[smem:$0x3FB4] =	sst s7  }
0x10: {  	[smem:$0x3FB5] =	sst s8  }
0x11: {  	[smem:$0x3FB6] =	sst s9;
	s0 =	simm.s32 @!p0 $0x0  }
0x12: {  	s1 =	sld [smem:$0x3F9C];
	s0 =	simm.s32 @p0 $0x1  }
0x13: {  	[smem:$0x3FB7] =	sst s0;
	s0 =	simm.s32 @!p1 $0x0  }
0x14: {  	s2 =	sld [smem:$0x3F9B];
	s0 =	simm.s32 @p1 $0x1  }
0x15: {  	[smem:$0x3FB8] =	sst s0;
	s0 =	simm.s32 @!p2 $0x0  }
0x16: {  	s3 =	sld [smem:$0x3FDB];
	s0 =	simm.s32 @p2 $0x1  }
0x17: {  	s4 =	simm.s32 $0x1BF5;
	[smem:$0x3FBA] =	sst s0  }
0x18: {  	s0 =	sld [smem:$0x3F9D];
	_ =	swait.ge [sflag:s4], $0x0  }
0x19: {  	s7 =	sld [smem:$0x3F9E]  }
0x1a: {  	s8 =	sadd.s32 $0xFFFFE003, lr  }
0x1b: {  	s9 =	sadd.s32 $0xFFFFFEF7, lr;
	s5 =	simm.s32 $0xFFFFFFFF;
	p2 =	slt.u32 s8, $0xFFFFF086  }
0x1c: {  	p1 =	slt.u32 s9, $0xF7A;
	s5 =	simm.s32 @!p2 $0x0  }
0x1d: {  	s5 =	simm.s32 @p1 $0x1;
	p0 =	seq.s32 s7, s2  }
0x1e: {  	s7 =	smul.u32 @!p0 $0xF7A, s2;
	p2 =	seq.s32 @!p0 s5, $0x0  }
0x1f: {  	s9 =	smul.u32 $0xF7A, s1;
	s8 =	simm.s32 @!p0 $0x1BF5;
	p2 =	por !p2, p0  }
0x20: {  	[sflag:s8] =	ssyncset.s32 @!p0 $0xFFFFF086;
	s6 =	sadd.s32 @!p0 s3, s7;
	s7 =	simm.s32 @!p0 $0x108  }
0x21: {  	s3 =	sadd.s32 s3, s9;
	s6 =	sadd.s32 @!p0 $0x88, s6;
	s7 =	simm.s32 @p2 $0x1082  }
0x22: {  	[simem:s7], [sflag:s8] =	dma.local @!p0 [hbm:s6], $0xF7A  }
0x23: {  	s9 =	sor.u32 $0xD0000000, s2;
	s6 =	simm.s32 $0x108;
	_ =	swait.ge @!p0 [sflag:s8], $0x0  }
0x24: {  	s3 =	sadd.s32 $0x88, s3;
	s6 =	simm.s32 @!p1 $0x1082;
	[sflag:s4] =	ssyncset.s32 $0xFFFFF086  }
0x25: {  	[simem:s6], [sflag:s4] =	dma.local [hbm:s3], $0xF7A  }
0x26: {  	[smem:$0x3F9E] =	sst s1;
	(tag) =	ssettag s2;
	_ =	strace s9  }
0x27: {  	s1 =	sld [smem:$0x3FAE]  }
0x28: {  	s2 =	sld [smem:$0x3FAF]  }
0x29: {  	s4 =	sld [smem:$0x3FB1]  }
0x2a: {  	p0 =	seq.s32 s5, $0x0;
	s5 =	sld [smem:$0x3FB2]  }
0x2b: {  	s6 =	sld [smem:$0x3FB3]  }
0x2c: {  	s7 =	sld [smem:$0x3FB4]  }
0x2d: {  	s3 =	simm.s32 $0x108;
	s8 =	sld [smem:$0x3FB5]  }
0x2e: {  	s3 =	simm.s32 @!p0 $0x1082;
	s9 =	sld [smem:$0x3FB6]  }
0x2f: {  	lr =	sadd.s32 s0, s3;
	s0 =	sld [smem:$0x3FAD]  }
0x30: {  	s3 =	sld [smem:$0x3FB0]  }
0x31: {  	[smem:$0x3FB9] =	sst s10  }
0x32: {  	s10 =	sld [smem:$0x3FB7];
	_ =	sdelay $0x3  }
0x33: {  	p0 =	seq.s32 s10, $0x1;
	s10 =	sld [smem:$0x3FB9];
	_ =	sdelay $0x3  }
0x34: {  	[smem:$0x3FB9] =	sst s10  }
0x35: {  	s10 =	sld [smem:$0x3FB8];
	_ =	sdelay $0x3  }
0x36: {  	p1 =	seq.s32 s10, $0x1;
	s10 =	sld [smem:$0x3FB9];
	_ =	sdelay $0x3  }
0x37: {  	[smem:$0x3FB9] =	sst s10  }
0x38: {  	s10 =	sld [smem:$0x3FBA]  }
0x39: {  	_ = 	snop;
	(pc) =	sbr.ind lr, $3  }
0x3a: {  	_ = 	snop  }
0x3b: {  	_ = 	snop  }
0x3c: {  	p2 =	seq.s32 s10, $0x1;
	s10 =	sld [smem:$0x3FB9]  }
0x3d: {  	_ =	shalt  }
0x3e: {  	_ =	shalt  }
0x3f: {  	_ =	shalt  }
0x40: {  	_ =	shalt  }
0x41: {  	_ =	shalt  }
0x42: {  	_ =	shalt  }
0x43: {  	_ =	shalt  }
0x44: {  	_ =	shalt  }
0x45: {  	_ =	shalt  }
0x46: {  	_ =	shalt  }
0x47: {  	_ =	shalt  }
0x48: {  	_ =	shalt  }
0x49: {  	_ =	shalt  }
0x4a: {  	_ =	shalt  }
0x4b: {  	_ =	shalt  }
0x4c: {  	_ =	shalt  }
0x4d: {  	_ =	shalt  }
0x4e: {  	_ =	shalt  }
0x4f: {  	_ =	shalt  }
0x50: {  	_ =	shalt  }
0x51: {  	_ =	shalt  }
0x52: {  	_ =	shalt  }
0x53: {  	_ =	shalt  }
0x54: {  	_ =	shalt  }
0x55: {  	_ =	shalt  }
0x56: {  	_ =	shalt  }
0x57: {  	_ =	shalt  }
0x58: {  	_ =	shalt  }
0x59: {  	_ =	shalt  }
0x5a: {  	_ =	shalt  }
0x5b: {  	_ =	shalt  }
0x5c: {  	_ =	shalt  }
0x5d: {  	_ =	shalt  }
0x5e: {  	_ =	shalt  }
0x5f: {  	_ =	shalt  }
0x60: {  	_ =	shalt  }
0x61: {  	_ =	shalt  }
0x62: {  	_ =	shalt  }
0x63: {  	_ =	shalt  }
0x64: {  	_ =	shalt  }
0x65: {  	_ =	shalt  }
0x66: {  	_ =	shalt  }
0x67: {  	_ =	shalt  }
0x68: {  	_ =	shalt  }
0x69: {  	_ =	shalt  }
0x6a: {  	_ =	shalt  }
0x6b: {  	_ =	shalt  }
0x6c: {  	_ =	shalt  }
0x6d: {  	_ =	shalt  }
0x6e: {  	_ =	shalt  }
0x6f: {  	_ =	shalt  }
0x70: {  	_ =	shalt  }
0x71: {  	_ =	shalt  }
0x72: {  	_ =	shalt  }
0x73: {  	_ =	shalt  }
0x74: {  	_ =	shalt  }
0x75: {  	_ =	shalt  }
0x76: {  	_ =	shalt  }
0x77: {  	_ =	shalt  }
0x78: {  	_ =	shalt  }
0x79: {  	_ =	shalt  }
0x7a: {  	_ =	shalt  }
0x7b: {  	_ =	shalt  }
0x7c: {  	_ =	shalt  }
0x7d: {  	_ =	shalt  }
0x7e: {  	_ =	shalt  }
0x7f: {  	_ =	shalt  }
0x80: {  	_ =	shalt  }
0x81: {  	_ =	shalt  }
0x82: {  	_ =	shalt  }
0x83: {  	_ =	shalt  }
0x84: {  	_ =	shalt  }
0x85: {  	_ =	shalt  }
0x86: {  	_ =	shalt  }
0x87: {  	_ =	shalt  }
.Lfunc_end0:
.L_simem_size_0:
called_computation_lowered:
.L_overlay_start_0:
0x88: {  	s2 =	sld [smem:$0x3FD9]  }
0x89: {  	s3 =	sld [smem:$0x3FFE];
	_ =	sdelay $0x1  }
0x8a: {  	s1 =	srdreg.scid  }
0x8b: {  	s0 =	sand.u32 $0x1, s1  }
0x8c: {  	s17 =	sshll.u32 s0, $0xA;
	s2 =	sadd.s32 s3, s2  }
0x8d: {  	s2 =	sadd.s32 s2, s17  }
0x8e: {  	[smem:$0x3FC5] =	sst s2  }
0x8f: {  	_ = 	snop  }
0x90: {  	s2 =	sld [smem:$0x3FC8]  }
0x91: {  	s18 =	sld [smem:$0x3FD0];
	(tm) =	ssettm $0x1  }
0x92: {  	s4 =	sld [smem:$0x3FFB];
	_ =	sdelay $0x3  }
0x93: {  	_ =	strace s4  }
0x94: {  	s4 =	sld [smem:$0x3FFC];
	_ =	sdelay $0x3  }
0x95: {  	_ =	strace s4  }
0x96: {  	s4 =	sld [smem:$0x3FFD];
	_ =	sdelay $0x3  }
0x97: {  	_ =	strace s4  }
0x98: {  	_ =	strace $0x8FFFFFFF  }
0x99: {  	s19 =	sld [smem:$0x3FDB];
	_ =	sdelay $0x1  }
0x9a: {  	s5 =	simm.s32 $_scs_section_size  }
0x9b: {  	s6 =	simm.s32 $_size__tile_overlayer_lowered;
	s7 =	simm.s32 $_tile_overlayer_lowered  }
0x9c: {  	s22 =	simm.s32 $0x1BFF;
	s21 =	sshll.u32 s7, $0x1;
	s4 =	sadd.s32 s5, s19  }
0x9d: {  	s8 =	simm.s32 $0x0;
	s20 =	sshll.u32 s6, $0x1;
	s6 =	sadd.s32 s21, s4  }
0x9e: {  	[timem:s8], [sflag:s22] =	dma.local [hbm:s6], s20  }
0x9f: {  	_ =	swait.ge [sflag:s22], s20  }
0xa0: {  	s5 =	ssub.s32 $0x0, s20;
	[sflag:s22] =	ssyncset.done $0x0  }
0xa1: {  	[sflag:s22] =	ssyncadd.s32 s5;
	_ =	sdelay $0x1  }
0xa2: {  	s23 =	simm.s32 $0x1B8B  }
0xa3: {  	_ =	swait.ge [sflag:s23], $0x1  }
0xa4: {  	[sflag:s23] =	ssyncset.done $0x0  }
0xa5: {  	s25 =	simm.s32 $0x1B8E;
	s24 =	sld [smem:$0x3FFE];
	[sflag:s23] =	ssyncadd.s32 $0xFFFFFFFF  }
0xa6: {  	s26 =	simm.s32 $execute0_lowered;
	[smem:$0x3FD2] =	sst s25  }
0xa7: {  	s6 =	sshll.u32 s26, $0x1;
	_ =	strace $0x80000046;
	[dreg:$0x1] =	wrdreg $0xFFFFFFFF  }
0xa8: {  	s28 =	simm.s32 $_size_execute0_lowered;
	s4 =	sadd.s32 s4, s6;
	[dreg:$0x0] =	wrdreg $0x0  }
0xa9: {  	s6 =	sshll.u32 s28, $0x1;
	[dreg:$0x2] =	wrdreg s4  }
0xaa: {  	[dreg:$0x3] =	wrdreg s6  }
0xab: {  	[dreg:$0x4] =	wrdreg $0xC0  }
0xac: {  	_ =	task [dreg:s8], $0x5FFFF  }
0xad: {  	[dreg:$0x1] =	wrdreg $0xFFFFFFFF  }
0xae: {  	[dreg:$0x0] =	wrdreg $0x60  }
0xaf: {  	[dreg:$0x2] =	wrdreg s24  }
0xb0: {  	[dreg:$0x3] =	wrdreg s2  }
0xb1: {  	[dreg:$0x4] =	wrdreg s18  }
0xb2: {  	[dreg:$0x5] =	wrdreg $0x9  }
0xb3: {  	_ =	task.clear_ibuf [dreg:s8], $0x6FFFF;
	_ =	strace $0x90000046  }
0xb4: {  	s29 =	simm.s32 $0x9;
	_ =	strace $0x80000048  }
0xb5: {  	_ =	swait.ge [sflag:s29], $0x1  }
0xb6: {  	[sflag:s29] =	ssyncadd.s32 $0xFFFFFFFF  }
0xb7: {  	_ =	strace $0x90000048  }
0xb8: {  	_ =	sfence  }
0xb9: {  	s30 =	sld [smem:$0x0];
	_ =	sdelay $0x2  }
0xba: {  	s31 =	sshll.u32 s1, $0xD;
	s1 =	sshrl.u32 s1, $0x2  }
0xbb: {  	s3 =	sand.u32 $0x4000, s31;
	s1 =	sadd.s32 s1, s30  }
0xbc: {  	s0 =	sor.u32 s3, s0;
	s1 =	sshll.u32 s1, $0x11  }
0xbd: {  	s0 =	sor.u32 s1, s0  }
0xbe: {  	s0 =	sadd.s32 $0x8F2B, s0  }
0xbf: {  	[sflag:s0] =	ssyncadd.remote.s32 $0x1  }
0xc0: {  	_ =	sfence.sel $0xFFFF  }
0xc1: {  	[dreg:$0x0] =	wrdreg $0xFFFFFFFF;
	(pc) =	sbr.abs _section_cstart, $3  }
0xc2: {  	[dreg:$0x1] =	wrdreg $0xFFFFFFFF  }
0xc3: {  	_ =	task.clear_ibuf [dreg:s8], $0x2FFFF;
	_ =	strace $0x9FFFFFFF  }
0xc4: {  	(tm) =	ssettm $0x7FFFFFFF  }
0xc5: {  	_ =	shalt  }
tec
execute0_lowered:
.L_overlay_start_1:
0x0: {  	(tag) =	ssettag $0x1  }
0x1: {  	v0 =	vimm.s32 $0x400;
	vm0 =	vmmov $0xffff;
	v1 =	vlaneseq.u32  }
0x2: {  	v2 =	vimm.s32 $0x80000;
	v3 =	vimm.s32 $0x100000;
	v6 =	vimm.s32 $0x1380  }
0x3: {  	vm1 =	vcmask $0x300;
	vm2 =	vcmask $0x704;
	v7 =	vimm.s32 $0x3380  }
0x4: {  	vm3 =	vcmask $0xB08;
	v4 =	vand.u32 $0x7, v1;
	v6 =	vsel vm1, $0x0, v6  }
0x5: {  	s0 =	rddreg [dreg:$0x0];
	v5 =	vshrl.u32 v1, $0x3;
	v7 =	vsel vm1, $0x2000, v7;
	v6 =	vsel vm2, $0x80, v6  }
0x6: {  	s1 =	rddreg [dreg:$0x2];
	vm1 =	vcmask $0xF0C;
	v7 =	vsel vm2, $0x2080, v7;
	v6 =	vsel vm3, $0x100, v6  }
0x7: {  	s2 =	srdreg.scid;
	s4 =	simm.s32 $0x0;
	s5 =	stileid.u32;
	vm2 =	vcmask $0x1310;
	v7 =	vsel vm3, $0x2100, v7;
	v6 =	vsel vm1, $0x180, v6  }
0x8: {  	s12 =	simm.s32 $0x2;
	s14 =	simm.s32 $0x7B00;
	s15 =	simm.s32 $0xA00;
	vm3 =	vcmask $0x1714;
	v7 =	vsel vm1, $0x2180, v7;
	v6 =	vsel vm2, $0x200, v6  }
0x9: {  	s16 =	simm.s32 $0x1200;
	s17 =	simm.s32 $0x1A00;
	s18 =	simm.s32 $0x2200;
	vm1 =	vcmask $0x1B18;
	v7 =	vsel vm2, $0x2200, v7;
	v6 =	vsel vm3, $0x280, v6  }
0xa: {  	s19 =	simm.s32 $0x2A00;
	s20 =	simm.s32 $0x3200;
	s21 =	simm.s32 $0x3A00;
	vm2 =	vcmask $0x1F1C;
	v7 =	vsel vm3, $0x2280, v7;
	v6 =	vsel vm1, $0x300, v6  }
0xb: {  	s22 =	simm.s32 $0x4200;
	s23 =	simm.s32 $0x1;
	s24 =	simm.s32 $0x4A00;
	vm3 =	vcmask $0x2320;
	v7 =	vsel vm1, $0x2300, v7;
	v6 =	vsel vm2, $0x380, v6  }
0xc: {  	s25 =	simm.s32 $0x60;
	s26 =	simm.s32 $0x4A80;
	s28 =	simm.s32 $0x4B00;
	vm1 =	vcmask $0x2724;
	v7 =	vsel vm2, $0x2380, v7;
	v6 =	vsel vm3, $0x1000, v6  }
0xd: {  	s29 =	simm.s32 $0x7B80;
	s30 =	simm.s32 $0x8B80;
	s31 =	simm.s32 $0x8C00;
	vm2 =	vcmask $0x2B28;
	v7 =	vsel vm3, $0x3000, v7;
	v6 =	vsel vm1, $0x1080, v6  }
0xe: {  	s2 =	sand.u32 $0x1, s2;
	[smem:$0x7FF] =	sst s4;
	s7 =	sadd.s32 $0x200, s0;
	vm3 =	vcmask $0x2F2C;
	v7 =	vsel vm1, $0x3080, v7;
	v6 =	vsel vm2, $0x1100, v6  }
0xf: {  	s3 =	sshll.u32 s2, $0x4;
	_ =	strace $0x80000047;
	s2 =	ssub.s32 $0x2, s2;
	vm1 =	vcmask $0x3330;
	v7 =	vsel vm2, $0x3100, v7;
	v6 =	vsel vm3, $0x1180, v6  }
0x10: {  	s3 =	sor.u32 s5, s3;
	s5 =	sadd.s32 $0x60200, s0;
	s9 =	sshrl.u32 s2, $0x1;
	vm2 =	vcmask $0x3734;
	v7 =	vsel vm3, $0x3180, v7;
	v6 =	vsel vm1, $0x1200, v6  }
0x11: {  	v10 =	vor.u32 $0x10, v1;
	s6 =	sshll.u32 s3, $0x2;
	s2 =	ssub.s32 s2, s9;
	s9 =	sadd.s32 $0x60300, s0;
	v8 =	vsel vm2, $0x1280, v6;
	v6 =	vsel vm1, $0x3200, v7  }
0x12: {  	s3 =	sshll.u32 s3, $0x7;
	s8 =	sadd.s32 s6, s0;
	s6 =	sadd.s32 $0x80400, s0;
	vm1 =	vcmask $0x3B38;
	v9 =	vsel vm2, $0x3280, v6;
	v6 =	vmul.u32 $0x80, v1  }
0x13: {  	v5 =	vmul.u32 $0x8, v5;
	s10 =	sadd.s32 s1, s3;
	s11 =	smax.u32 s2, $0x1;
	s2 =	simm.s32 $0x400;
	v7 =	vor.u32 $0x8, v1;
	v8 =	vsel vm1, $0x1300, v8  }
0x14: {  	s3 =	simm.s32 $0x8000;
	s1 =	simm.s32 $0x0;
	s8 =	sadd.s32 $0x80200, s8;
	v9 =	vsel vm1, $0x3300, v9;
	v11 =	vor.u32 $0x1000, v6;
	v12 =	vor.u32 $0x2000, v6  }
.LBB2_1:
0x15: {  	[tilespmem:s4], [sflag:$0x2] =	stream.linear.gather [hbm4b:s0+s4], $0x800, $0x38;
	[tilespmem:$0x9C00] =	vst v63  }
0x16: {  	_ =	swait.ge [sflag:s12], $0x800  }
0x17: {  	[sflag:s12] =	ssyncset.done $0x0  }
0x18: {  	s13 =	simm.s32 $0x800;
	[sflag:s12] =	ssyncadd.s32 $0xFFFFF800  }
0x19: {  	[tilespmem:s13], [sflag:$0x2] =	stream.linear.gather [hbm4b:s8+s4], $0x20, $0x38;
	[tilespmem:$0x9C00] =	vst v63  }
0x1a: {  	_ =	swait.ge [sflag:s12], $0x20  }
0x1b: {  	[sflag:s12] =	ssyncset.done $0x0  }
0x1c: {  	[sflag:s12] =	ssyncadd.s32 $0xFFFFFFE0  }
0x1d: {  	[tilespmem:s14], [sflag:$0x2] =	stream.linear.gather [hbm4b:s6+s4], $0x80, $0x38;
	[tilespmem:$0x9C00] =	vst v63  }
0x1e: {  	_ =	swait.ge [sflag:s12], $0x80  }
0x1f: {  	[sflag:s12] =	ssyncset.done $0x0  }
0x20: {  	[sflag:s12] =	ssyncadd.s32 $0xFFFFFF80  }
0x21: {  	v13 =	vld [tilespmem:$0x800]  }
0x22: {  	v14 =	vld.idx.msk [tilespmem:v0+s4+$0x0], $0xffff;
	_ =	sdelay $0x4  }
0x23: {  	vm1 =	vle.f32 v13, v14  }
0x24: {  	v14 =	vsel vm1, $0x0, v2  }
0x25: {  	v15 =	vor.u32 $0x40000, v14  }
0x26: {  	v16 =	vshrl.u32 v15, $0x9;
	_ =	sdelay $0x4  }
0x27: {  	v16 =	vld.idx.msk [tilespmem:v16+s4+$0x0], $0xffff;
	_ =	sdelay $0x4  }
0x28: {  	v17 =	vsel vm1, $0x80000, v3;
	vm1 =	vle.f32 v13, v16  }
0x29: {  	v14 =	vsel vm1, v14, v15;
	v15 =	vsel vm1, v15, v17  }
0x2a: {  	v16 =	vsub.s32 v15, v14  }
0x2b: {  	v16 =	vshra.s32 v16, $0x1  }
0x2c: {  	v16 =	vadd.s32 v14, v16  }
0x2d: {  	v17 =	vshra.s32 v16, $0x9;
	_ =	sdelay $0x4  }
0x2e: {  	v17 =	vld.idx.msk [tilespmem:v17+s4+$0x0], $0xffff;
	_ =	sdelay $0x4  }
0x2f: {  	vm1 =	vle.f32 v13, v17  }
0x30: {  	v14 =	vsel vm1, v14, v16;
	v15 =	vsel vm1, v16, v15  }
0x31: {  	v16 =	vsub.s32 v15, v14  }
0x32: {  	v16 =	vshra.s32 v16, $0x1  }
0x33: {  	v16 =	vadd.s32 v14, v16  }
0x34: {  	v17 =	vshra.s32 v16, $0x9;
	_ =	sdelay $0x4  }
0x35: {  	v17 =	vld.idx.msk [tilespmem:v17+s4+$0x0], $0xffff;
	_ =	sdelay $0x4  }
0x36: {  	vm1 =	vle.f32 v13, v17  }
0x37: {  	v14 =	vsel vm1, v14, v16;
	v15 =	vsel vm1, v16, v15  }
0x38: {  	v16 =	vsub.s32 v15, v14  }
0x39: {  	v16 =	vshra.s32 v16, $0x1  }
0x3a: {  	v16 =	vadd.s32 v14, v16  }
0x3b: {  	v17 =	vshra.s32 v16, $0x9;
	_ =	sdelay $0x4  }
0x3c: {  	v17 =	vld.idx.msk [tilespmem:v17+s4+$0x0], $0xffff;
	_ =	sdelay $0x4  }
0x3d: {  	vm1 =	vle.f32 v13, v17  }
0x3e: {  	v14 =	vsel vm1, v14, v16;
	v15 =	vsel vm1, v16, v15  }
0x3f: {  	v16 =	vsub.s32 v15, v14  }
0x40: {  	v16 =	vshra.s32 v16, $0x1  }
0x41: {  	v16 =	vadd.s32 v14, v16  }
0x42: {  	v17 =	vshra.s32 v16, $0x9;
	_ =	sdelay $0x4  }
0x43: {  	v17 =	vld.idx.msk [tilespmem:v17+s4+$0x0], $0xffff;
	_ =	sdelay $0x4  }
0x44: {  	vm1 =	vle.f32 v13, v17  }
0x45: {  	v14 =	vsel vm1, v14, v16;
	v15 =	vsel vm1, v16, v15  }
0x46: {  	v16 =	vsub.s32 v15, v14  }
0x47: {  	v16 =	vshra.s32 v16, $0x1  }
0x48: {  	v16 =	vadd.s32 v14, v16  }
0x49: {  	v17 =	vshra.s32 v16, $0x9;
	_ =	sdelay $0x4  }
0x4a: {  	v17 =	vld.idx.msk [tilespmem:v17+s4+$0x0], $0xffff;
	_ =	sdelay $0x4  }
0x4b: {  	vm1 =	vle.f32 v13, v17  }
0x4c: {  	v14 =	vsel vm1, v14, v16;
	v15 =	vsel vm1, v16, v15  }
0x4d: {  	v16 =	vsub.s32 v15, v14  }
0x4e: {  	v16 =	vshra.s32 v16, $0x1  }
0x4f: {  	v16 =	vadd.s32 v14, v16  }
0x50: {  	v17 =	vshra.s32 v16, $0x9;
	_ =	sdelay $0x4  }
0x51: {  	v17 =	vld.idx.msk [tilespmem:v17+s4+$0x0], $0xffff;
	_ =	sdelay $0x4  }
0x52: {  	vm1 =	vle.f32 v13, v17  }
0x53: {  	v14 =	vsel vm1, v14, v16;
	v15 =	vsel vm1, v16, v15  }
0x54: {  	v16 =	vsub.s32 v15, v14  }
0x55: {  	v16 =	vshra.s32 v16, $0x1  }
0x56: {  	v16 =	vadd.s32 v14, v16  }
0x57: {  	v17 =	vshra.s32 v16, $0x9;
	_ =	sdelay $0x4  }
0x58: {  	v17 =	vld.idx.msk [tilespmem:v17+s4+$0x0], $0xffff;
	_ =	sdelay $0x4  }
0x59: {  	vm1 =	vle.f32 v13, v17  }
0x5a: {  	v14 =	vsel vm1, v14, v16;
	v15 =	vsel vm1, v16, v15  }
0x5b: {  	v16 =	vsub.s32 v15, v14  }
0x5c: {  	v16 =	vshra.s32 v16, $0x1  }
0x5d: {  	v16 =	vadd.s32 v14, v16  }
0x5e: {  	v17 =	vshra.s32 v16, $0x9;
	_ =	sdelay $0x4  }
0x5f: {  	v17 =	vld.idx.msk [tilespmem:v17+s4+$0x0], $0xffff;
	_ =	sdelay $0x4  }
0x60: {  	vm1 =	vle.f32 v13, v17  }
0x61: {  	v14 =	vsel vm1, v14, v16;
	v15 =	vsel vm1, v16, v15  }
0x62: {  	v16 =	vsub.s32 v15, v14  }
0x63: {  	v16 =	vshra.s32 v16, $0x1  }
0x64: {  	v16 =	vadd.s32 v14, v16  }
0x65: {  	v17 =	vshra.s32 v16, $0x9;
	_ =	sdelay $0x4  }
0x66: {  	v17 =	vld.idx.msk [tilespmem:v17+s4+$0x0], $0xffff;
	_ =	sdelay $0x4  }
0x67: {  	vm1 =	vle.f32 v13, v17  }
0x68: {  	v13 =	vsel vm1, v14, v16  }
0x69: {  	v14 =	vshra.s32 v13, $0x9;
	[tilespmem:$0x900] =	vst v13  }
0x6a: {  	[tilespmem:$0x880] =	vst v14;
	v14 =	vsel vm1, v16, v15  }
0x6b: {  	v13 =	vld [tilespmem:$0x810];
	[tilespmem:$0x980] =	vst v14  }
0x6c: {  	v14 =	vld.idx.msk [tilespmem:v0+s4+$0x0], $0xffff;
	_ =	sdelay $0x4  }
0x6d: {  	vm1 =	vle.f32 v13, v14  }
0x6e: {  	v14 =	vsel vm1, $0x0, v2  }
0x6f: {  	v15 =	vor.u32 $0x40000, v14  }
0x70: {  	v16 =	vshrl.u32 v15, $0x9;
	_ =	sdelay $0x4  }
0x71: {  	v16 =	vld.idx.msk [tilespmem:v16+s4+$0x0], $0xffff;
	_ =	sdelay $0x4  }
0x72: {  	v17 =	vsel vm1, $0x80000, v3;
	vm1 =	vle.f32 v13, v16  }
0x73: {  	v14 =	vsel vm1, v14, v15;
	v15 =	vsel vm1, v15, v17  }
0x74: {  	v16 =	vsub.s32 v15, v14  }
0x75: {  	v16 =	vshra.s32 v16, $0x1  }
0x76: {  	v16 =	vadd.s32 v14, v16  }
0x77: {  	v17 =	vshra.s32 v16, $0x9;
	_ =	sdelay $0x4  }
0x78: {  	v17 =	vld.idx.msk [tilespmem:v17+s4+$0x0], $0xffff;
	_ =	sdelay $0x4  }
0x79: {  	vm1 =	vle.f32 v13, v17  }
0x7a: {  	v14 =	vsel vm1, v14, v16;
	v15 =	vsel vm1, v16, v15  }
0x7b: {  	v16 =	vsub.s32 v15, v14  }
0x7c: {  	v16 =	vshra.s32 v16, $0x1  }
0x7d: {  	v16 =	vadd.s32 v14, v16  }
0x7e: {  	v17 =	vshra.s32 v16, $0x9;
	_ =	sdelay $0x4  }
0x7f: {  	v17 =	vld.idx.msk [tilespmem:v17+s4+$0x0], $0xffff;
	_ =	sdelay $0x4  }
0x80: {  	vm1 =	vle.f32 v13, v17  }
0x81: {  	v14 =	vsel vm1, v14, v16;
	v15 =	vsel vm1, v16, v15  }
0x82: {  	v16 =	vsub.s32 v15, v14  }
0x83: {  	v16 =	vshra.s32 v16, $0x1  }
0x84: {  	v16 =	vadd.s32 v14, v16  }
0x85: {  	v17 =	vshra.s32 v16, $0x9;
	_ =	sdelay $0x4  }
0x86: {  	v17 =	vld.idx.msk [tilespmem:v17+s4+$0x0], $0xffff;
	_ =	sdelay $0x4  }
0x87: {  	vm1 =	vle.f32 v13, v17  }
0x88: {  	v14 =	vsel vm1, v14, v16;
	v15 =	vsel vm1, v16, v15  }
0x89: {  	v16 =	vsub.s32 v15, v14  }
0x8a: {  	v16 =	vshra.s32 v16, $0x1  }
0x8b: {  	v16 =	vadd.s32 v14, v16  }
0x8c: {  	v17 =	vshra.s32 v16, $0x9;
	_ =	sdelay $0x4  }
0x8d: {  	v17 =	vld.idx.msk [tilespmem:v17+s4+$0x0], $0xffff;
	_ =	sdelay $0x4  }
0x8e: {  	vm1 =	vle.f32 v13, v17  }
0x8f: {  	v14 =	vsel vm1, v14, v16;
	v15 =	vsel vm1, v16, v15  }
0x90: {  	v16 =	vsub.s32 v15, v14  }
0x91: {  	v16 =	vshra.s32 v16, $0x1  }
0x92: {  	v16 =	vadd.s32 v14, v16  }
0x93: {  	v17 =	vshra.s32 v16, $0x9;
	_ =	sdelay $0x4  }
0x94: {  	v17 =	vld.idx.msk [tilespmem:v17+s4+$0x0], $0xffff;
	_ =	sdelay $0x4  }
0x95: {  	vm1 =	vle.f32 v13, v17  }
0x96: {  	v14 =	vsel vm1, v14, v16;
	v15 =	vsel vm1, v16, v15  }
0x97: {  	v16 =	vsub.s32 v15, v14  }
0x98: {  	v16 =	vshra.s32 v16, $0x1  }
0x99: {  	v16 =	vadd.s32 v14, v16  }
0x9a: {  	v17 =	vshra.s32 v16, $0x9;
	_ =	sdelay $0x4  }
0x9b: {  	v17 =	vld.idx.msk [tilespmem:v17+s4+$0x0], $0xffff;
	_ =	sdelay $0x4  }
0x9c: {  	vm1 =	vle.f32 v13, v17  }
0x9d: {  	v14 =	vsel vm1, v14, v16;
	v15 =	vsel vm1, v16, v15  }
0x9e: {  	v16 =	vsub.s32 v15, v14  }
0x9f: {  	v16 =	vshra.s32 v16, $0x1  }
0xa0: {  	v16 =	vadd.s32 v14, v16  }
0xa1: {  	v17 =	vshra.s32 v16, $0x9;
	_ =	sdelay $0x4  }
0xa2: {  	v17 =	vld.idx.msk [tilespmem:v17+s4+$0x0], $0xffff;
	_ =	sdelay $0x4  }
0xa3: {  	vm1 =	vle.f32 v13, v17  }
0xa4: {  	v14 =	vsel vm1, v14, v16;
	v15 =	vsel vm1, v16, v15  }
0xa5: {  	v16 =	vsub.s32 v15, v14  }
0xa6: {  	v16 =	vshra.s32 v16, $0x1  }
0xa7: {  	v16 =	vadd.s32 v14, v16  }
0xa8: {  	v17 =	vshra.s32 v16, $0x9;
	_ =	sdelay $0x4  }
0xa9: {  	v17 =	vld.idx.msk [tilespmem:v17+s4+$0x0], $0xffff;
	_ =	sdelay $0x4  }
0xaa: {  	vm1 =	vle.f32 v13, v17  }
0xab: {  	v14 =	vsel vm1, v14, v16;
	v15 =	vsel vm1, v16, v15  }
0xac: {  	v16 =	vsub.s32 v15, v14  }
0xad: {  	v16 =	vshra.s32 v16, $0x1  }
0xae: {  	v16 =	vadd.s32 v14, v16  }
0xaf: {  	v17 =	vshra.s32 v16, $0x9  }
0xb0: {  	v18 =	vld [tilespmem:$0x880];
	_ =	sdelay $0x3  }
0xb1: {  	v17 =	vld.idx.msk [tilespmem:v17+s4+$0x0], $0xffff  }
0xb2: {  	v19 =	vshll.u32 v18, $0x2  }
0xb3: {  	v18 =	vand.u32 $0x7, v18;
	v19 =	vand.u32 $0xFFFFFFE0, v19  }
0xb4: {  	v18 =	vor.u32 v18, v19  }
0xb5: {  	v19 =	vperm.xlane v18, v4  }
0xb6: {  	vm1 =	vle.f32 v13, v17  }
0xb7: {  	v13 =	vsel vm1, v14, v16;
	v14 =	vadd.s32 v5, v19  }
0xb8: {  	v17 =	vshra.s32 v13, $0x9  }
0xb9: {  	[tilespmem:$0x890] =	vst v17;
	v17 =	vperm.xlane v18, v7  }
0xba: {  	v15 =	vsel vm1, v16, v15;
	[tilespmem:$0x910] =	vst v13  }
0xbb: {  	[tilespmem:$0x990] =	vst v15;
	v13 =	vadd.s32 v5, v17  }
0xbc: {  	[tilespmem:s15], [sflag:$0x1] =	stream.indirect_vreg.gather [hbm4b:s5+s4], $0x80, v14, vm0, $0xb8;
	[tilespmem:$0x9C00] =	vst v63  }
0xbd: {  	_ = 	snop  }
0xbe: {  	[tilespmem:s16], [sflag:$0x1] =	stream.indirect_vreg.gather [hbm4b:s9+s4], $0x80, v14, vm0, $0xb8;
	[tilespmem:$0x9C00] =	vst v63  }
0xbf: {  	_ = 	snop  }
0xc0: {  	[tilespmem:s17], [sflag:$0x1] =	stream.indirect_vreg.gather [hbm4b:s5+s4], $0x80, v13, vm0, $0xb8;
	[tilespmem:$0x9C00] =	vst v63  }
0xc1: {  	_ = 	snop  }
0xc2: {  	[tilespmem:s18], [sflag:$0x1] =	stream.indirect_vreg.gather [hbm4b:s9+s4], $0x80, v13, vm0, $0xb8;
	[tilespmem:$0x9C00] =	vst v63  }
0xc3: {  	v13 =	vld [tilespmem:$0x890];
	_ =	sdelay $0x4  }
0xc4: {  	v14 =	vshll.u32 v13, $0x2  }
0xc5: {  	v13 =	vand.u32 $0x7, v13;
	v14 =	vand.u32 $0xFFFFFFE0, v14  }
0xc6: {  	v13 =	vor.u32 v13, v14  }
0xc7: {  	v14 =	vperm.xlane v13, v4;
	_ =	sdelay $0x1  }
0xc8: {  	v14 =	vadd.s32 v5, v14;
	_ =	sdelay $0x1  }
0xc9: {  	v13 =	vperm.xlane v13, v7;
	_ =	sdelay $0x1  }
0xca: {  	v13 =	vadd.s32 v5, v13  }
0xcb: {  	[tilespmem:s19], [sflag:$0x1] =	stream.indirect_vreg.gather [hbm4b:s5+s4], $0x80, v14, vm0, $0xb8;
	[tilespmem:$0x9C00] =	vst v63  }
0xcc: {  	_ = 	snop  }
0xcd: {  	[tilespmem:s20], [sflag:$0x1] =	stream.indirect_vreg.gather [hbm4b:s9+s4], $0x80, v14, vm0, $0xb8;
	[tilespmem:$0x9C00] =	vst v63  }
0xce: {  	_ = 	snop  }
0xcf: {  	[tilespmem:s21], [sflag:$0x1] =	stream.indirect_vreg.gather [hbm4b:s5+s4], $0x80, v13, vm0, $0xb8;
	[tilespmem:$0x9C00] =	vst v63  }
0xd0: {  	_ = 	snop  }
0xd1: {  	[tilespmem:s22], [sflag:$0x1] =	stream.indirect_vreg.gather [hbm4b:s9+s4], $0x80, v13, vm0, $0xb8;
	[tilespmem:$0x9C00] =	vst v63  }
0xd2: {  	_ =	swait.ge [sflag:s23], $0x4000  }
0xd3: {  	[sflag:s23] =	ssyncset.done $0x0  }
0xd4: {  	[sflag:s23] =	ssyncadd.s32 $0xFFFFC000  }
0xd5: {  	v13 =	vld [tilespmem:$0x900]  }
0xd6: {  	v15 =	vld [tilespmem:$0x980];
	_ =	sdelay $0x4  }
0xd7: {  	v14 =	vsub.s32 v15, v13  }
0xd8: {  	v16 =	vshra.s32 v14, $0x1  }
0xd9: {  	v14 =	vshll.u32 v16, $0x3  }
0xda: {  	v17 =	vand.u32 $0x7F, v16;
	v14 =	vand.u32 $0xFFFFFC00, v14  }
0xdb: {  	v14 =	vor.u32 v17, v14  }
0xdc: {  	v17 =	vadd.s32 v8, v14;
	_ =	sdelay $0x3  }
0xdd: {  	v14 =	vld [tilespmem:$0x800]  }
0xde: {  	v17 =	vld.idx.msk [tilespmem:v17+s15+$0x0], $0xffff;
	_ =	sdelay $0x4  }
0xdf: {  	v16 =	vadd.s32 v13, v16;
	vm1 =	vle.f32 v14, v17  }
0xe0: {  	v17 =	vsel vm1, v13, v16;
	v15 =	vsel vm1, v16, v15  }
0xe1: {  	v16 =	vsub.s32 v15, v17  }
0xe2: {  	v16 =	vshra.s32 v16, $0x1  }
0xe3: {  	v16 =	vadd.s32 v17, v16  }
0xe4: {  	v18 =	vsub.s32 v16, v13  }
0xe5: {  	v19 =	vshll.u32 v18, $0x3  }
0xe6: {  	v18 =	vand.u32 $0x7F, v18;
	v19 =	vand.u32 $0xFFFFFC00, v19  }
0xe7: {  	v18 =	vor.u32 v18, v19  }
0xe8: {  	v18 =	vadd.s32 v8, v18;
	_ =	sdelay $0x4  }
0xe9: {  	v18 =	vld.idx.msk [tilespmem:v18+s15+$0x0], $0xffff;
	_ =	sdelay $0x4  }
0xea: {  	vm1 =	vle.f32 v14, v18  }
0xeb: {  	v17 =	vsel vm1, v17, v16;
	v15 =	vsel vm1, v16, v15  }
0xec: {  	v16 =	vsub.s32 v15, v17  }
0xed: {  	v16 =	vshra.s32 v16, $0x1  }
0xee: {  	v16 =	vadd.s32 v17, v16  }
0xef: {  	v18 =	vsub.s32 v16, v13  }
0xf0: {  	v19 =	vshll.u32 v18, $0x3  }
0xf1: {  	v18 =	vand.u32 $0x7F, v18;
	v19 =	vand.u32 $0xFFFFFC00, v19  }
0xf2: {  	v18 =	vor.u32 v18, v19  }
0xf3: {  	v18 =	vadd.s32 v8, v18;
	_ =	sdelay $0x4  }
0xf4: {  	v18 =	vld.idx.msk [tilespmem:v18+s15+$0x0], $0xffff;
	_ =	sdelay $0x4  }
0xf5: {  	vm1 =	vle.f32 v14, v18  }
0xf6: {  	v17 =	vsel vm1, v17, v16;
	v15 =	vsel vm1, v16, v15  }
0xf7: {  	v16 =	vsub.s32 v15, v17  }
0xf8: {  	v16 =	vshra.s32 v16, $0x1  }
0xf9: {  	v16 =	vadd.s32 v17, v16  }
0xfa: {  	v18 =	vsub.s32 v16, v13  }
0xfb: {  	v19 =	vshll.u32 v18, $0x3  }
0xfc: {  	v18 =	vand.u32 $0x7F, v18;
	v19 =	vand.u32 $0xFFFFFC00, v19  }
0xfd: {  	v18 =	vor.u32 v18, v19  }
0xfe: {  	v18 =	vadd.s32 v8, v18;
	_ =	sdelay $0x4  }
0xff: {  	v18 =	vld.idx.msk [tilespmem:v18+s15+$0x0], $0xffff;
	_ =	sdelay $0x4  }
0x100: {  	vm1 =	vle.f32 v14, v18  }
0x101: {  	v17 =	vsel vm1, v17, v16;
	v15 =	vsel vm1, v16, v15  }
0x102: {  	v16 =	vsub.s32 v15, v17  }
0x103: {  	v16 =	vshra.s32 v16, $0x1  }
0x104: {  	v16 =	vadd.s32 v17, v16  }
0x105: {  	v18 =	vsub.s32 v16, v13  }
0x106: {  	v19 =	vshll.u32 v18, $0x3  }
0x107: {  	v18 =	vand.u32 $0x7F, v18;
	v19 =	vand.u32 $0xFFFFFC00, v19  }
0x108: {  	v18 =	vor.u32 v18, v19  }
0x109: {  	v18 =	vadd.s32 v8, v18;
	_ =	sdelay $0x4  }
0x10a: {  	v18 =	vld.idx.msk [tilespmem:v18+s15+$0x0], $0xffff;
	_ =	sdelay $0x4  }
0x10b: {  	vm1 =	vle.f32 v14, v18  }
0x10c: {  	v17 =	vsel vm1, v17, v16;
	v15 =	vsel vm1, v16, v15  }
0x10d: {  	v16 =	vsub.s32 v15, v17  }
0x10e: {  	v16 =	vshra.s32 v16, $0x1  }
0x10f: {  	v16 =	vadd.s32 v17, v16  }
0x110: {  	v18 =	vsub.s32 v16, v13  }
0x111: {  	v19 =	vshll.u32 v18, $0x3  }
0x112: {  	v18 =	vand.u32 $0x7F, v18;
	v19 =	vand.u32 $0xFFFFFC00, v19  }
0x113: {  	v18 =	vor.u32 v18, v19  }
0x114: {  	v18 =	vadd.s32 v8, v18;
	_ =	sdelay $0x4  }
0x115: {  	v18 =	vld.idx.msk [tilespmem:v18+s15+$0x0], $0xffff;
	_ =	sdelay $0x4  }
0x116: {  	vm1 =	vle.f32 v14, v18  }
0x117: {  	v17 =	vsel vm1, v17, v16;
	v15 =	vsel vm1, v16, v15  }
0x118: {  	v16 =	vsub.s32 v15, v17  }
0x119: {  	v16 =	vshra.s32 v16, $0x1  }
0x11a: {  	v16 =	vadd.s32 v17, v16  }
0x11b: {  	v18 =	vsub.s32 v16, v13  }
0x11c: {  	v19 =	vshll.u32 v18, $0x3  }
0x11d: {  	v18 =	vand.u32 $0x7F, v18;
	v19 =	vand.u32 $0xFFFFFC00, v19  }
0x11e: {  	v18 =	vor.u32 v18, v19  }
0x11f: {  	v18 =	vadd.s32 v8, v18;
	_ =	sdelay $0x4  }
0x120: {  	v18 =	vld.idx.msk [tilespmem:v18+s15+$0x0], $0xffff;
	_ =	sdelay $0x4  }
0x121: {  	vm1 =	vle.f32 v14, v18  }
0x122: {  	v17 =	vsel vm1, v17, v16;
	v15 =	vsel vm1, v16, v15  }
0x123: {  	v16 =	vsub.s32 v15, v17  }
0x124: {  	v16 =	vshra.s32 v16, $0x1  }
0x125: {  	v16 =	vadd.s32 v17, v16  }
0x126: {  	v18 =	vsub.s32 v16, v13  }
0x127: {  	v19 =	vshll.u32 v18, $0x3  }
0x128: {  	v18 =	vand.u32 $0x7F, v18;
	v19 =	vand.u32 $0xFFFFFC00, v19  }
0x129: {  	v18 =	vor.u32 v18, v19  }
0x12a: {  	v18 =	vadd.s32 v8, v18;
	_ =	sdelay $0x4  }
0x12b: {  	v18 =	vld.idx.msk [tilespmem:v18+s15+$0x0], $0xffff;
	_ =	sdelay $0x4  }
0x12c: {  	vm1 =	vle.f32 v14, v18  }
0x12d: {  	v17 =	vsel vm1, v17, v16;
	v15 =	vsel vm1, v16, v15  }
0x12e: {  	v16 =	vsub.s32 v15, v17  }
0x12f: {  	v16 =	vshra.s32 v16, $0x1  }
0x130: {  	v16 =	vadd.s32 v17, v16  }
0x131: {  	v18 =	vsub.s32 v16, v13  }
0x132: {  	v19 =	vshll.u32 v18, $0x3  }
0x133: {  	v18 =	vand.u32 $0x7F, v18;
	v19 =	vand.u32 $0xFFFFFC00, v19  }
0x134: {  	v18 =	vor.u32 v18, v19  }
0x135: {  	v18 =	vadd.s32 v8, v18;
	_ =	sdelay $0x4  }
0x136: {  	v18 =	vld.idx.msk [tilespmem:v18+s15+$0x0], $0xffff;
	_ =	sdelay $0x4  }
0x137: {  	vm1 =	vle.f32 v14, v18  }
0x138: {  	v17 =	vsel vm1, v17, v16;
	v15 =	vsel vm1, v16, v15  }
0x139: {  	v16 =	vsub.s32 v15, v17  }
0x13a: {  	v16 =	vshra.s32 v16, $0x1  }
0x13b: {  	v16 =	vadd.s32 v17, v16  }
0x13c: {  	v17 =	vsub.s32 v16, v13  }
0x13d: {  	v19 =	vld [tilespmem:$0x990];
	v18 =	vshll.u32 v17, $0x3  }
0x13e: {  	v13 =	vld [tilespmem:$0x910];
	v17 =	vand.u32 $0x7F, v17;
	v18 =	vand.u32 $0xFFFFFC00, v18  }
0x13f: {  	v17 =	vor.u32 v17, v18  }
0x140: {  	v17 =	vadd.s32 v8, v17;
	_ =	sdelay $0x2  }
0x141: {  	v18 =	vsub.s32 v19, v13  }
0x142: {  	v18 =	vshra.s32 v18, $0x1  }
0x143: {  	v20 =	vshll.u32 v18, $0x3;
	v17 =	vld.idx.msk [tilespmem:v17+s15+$0x0], $0xffff  }
0x144: {  	v21 =	vand.u32 $0x7F, v18;
	v20 =	vand.u32 $0xFFFFFC00, v20  }
0x145: {  	v20 =	vor.u32 v21, v20  }
0x146: {  	v20 =	vadd.s32 v9, v20;
	_ =	sdelay $0x1  }
0x147: {  	vm1 =	vle.f32 v14, v17  }
0x148: {  	v14 =	vsel vm1, v16, v15  }
0x149: {  	[tilespmem:$0x4A00] =	vst v14;
	v14 =	vld [tilespmem:$0x810]  }
0x14a: {  	v15 =	vld.idx.msk [tilespmem:v20+s15+$0x0], $0xffff;
	_ =	sdelay $0x4  }
0x14b: {  	v16 =	vadd.s32 v13, v18;
	vm1 =	vle.f32 v14, v15  }
0x14c: {  	v15 =	vsel vm1, v13, v16;
	v16 =	vsel vm1, v16, v19  }
0x14d: {  	v17 =	vsub.s32 v16, v15  }
0x14e: {  	v17 =	vshra.s32 v17, $0x1  }
0x14f: {  	v17 =	vadd.s32 v15, v17  }
0x150: {  	v18 =	vsub.s32 v17, v13  }
0x151: {  	v19 =	vshll.u32 v18, $0x3  }
0x152: {  	v18 =	vand.u32 $0x7F, v18;
	v19 =	vand.u32 $0xFFFFFC00, v19  }
0x153: {  	v18 =	vor.u32 v18, v19  }
0x154: {  	v18 =	vadd.s32 v9, v18;
	_ =	sdelay $0x4  }
0x155: {  	v18 =	vld.idx.msk [tilespmem:v18+s15+$0x0], $0xffff;
	_ =	sdelay $0x4  }
0x156: {  	vm1 =	vle.f32 v14, v18  }
0x157: {  	v15 =	vsel vm1, v15, v17;
	v16 =	vsel vm1, v17, v16  }
0x158: {  	v17 =	vsub.s32 v16, v15  }
0x159: {  	v17 =	vshra.s32 v17, $0x1  }
0x15a: {  	v17 =	vadd.s32 v15, v17  }
0x15b: {  	v18 =	vsub.s32 v17, v13  }
0x15c: {  	v19 =	vshll.u32 v18, $0x3  }
0x15d: {  	v18 =	vand.u32 $0x7F, v18;
	v19 =	vand.u32 $0xFFFFFC00, v19  }
0x15e: {  	v18 =	vor.u32 v18, v19  }
0x15f: {  	v18 =	vadd.s32 v9, v18;
	_ =	sdelay $0x4  }
0x160: {  	v18 =	vld.idx.msk [tilespmem:v18+s15+$0x0], $0xffff;
	_ =	sdelay $0x4  }
0x161: {  	vm1 =	vle.f32 v14, v18  }
0x162: {  	v15 =	vsel vm1, v15, v17;
	v16 =	vsel vm1, v17, v16  }
0x163: {  	v17 =	vsub.s32 v16, v15  }
0x164: {  	v17 =	vshra.s32 v17, $0x1  }
0x165: {  	v17 =	vadd.s32 v15, v17  }
0x166: {  	v18 =	vsub.s32 v17, v13  }
0x167: {  	v19 =	vshll.u32 v18, $0x3  }
0x168: {  	v18 =	vand.u32 $0x7F, v18;
	v19 =	vand.u32 $0xFFFFFC00, v19  }
0x169: {  	v18 =	vor.u32 v18, v19  }
0x16a: {  	v18 =	vadd.s32 v9, v18;
	_ =	sdelay $0x4  }
0x16b: {  	v18 =	vld.idx.msk [tilespmem:v18+s15+$0x0], $0xffff;
	_ =	sdelay $0x4  }
0x16c: {  	vm1 =	vle.f32 v14, v18  }
0x16d: {  	v15 =	vsel vm1, v15, v17;
	v16 =	vsel vm1, v17, v16  }
0x16e: {  	v17 =	vsub.s32 v16, v15  }
0x16f: {  	v17 =	vshra.s32 v17, $0x1  }
0x170: {  	v17 =	vadd.s32 v15, v17  }
0x171: {  	v18 =	vsub.s32 v17, v13  }
0x172: {  	v19 =	vshll.u32 v18, $0x3  }
0x173: {  	v18 =	vand.u32 $0x7F, v18;
	v19 =	vand.u32 $0xFFFFFC00, v19  }
0x174: {  	v18 =	vor.u32 v18, v19  }
0x175: {  	v18 =	vadd.s32 v9, v18;
	_ =	sdelay $0x4  }
0x176: {  	v18 =	vld.idx.msk [tilespmem:v18+s15+$0x0], $0xffff;
	_ =	sdelay $0x4  }
0x177: {  	vm1 =	vle.f32 v14, v18  }
0x178: {  	v15 =	vsel vm1, v15, v17;
	v16 =	vsel vm1, v17, v16  }
0x179: {  	v17 =	vsub.s32 v16, v15  }
0x17a: {  	v17 =	vshra.s32 v17, $0x1  }
0x17b: {  	v17 =	vadd.s32 v15, v17  }
0x17c: {  	v18 =	vsub.s32 v17, v13  }
0x17d: {  	v19 =	vshll.u32 v18, $0x3  }
0x17e: {  	v18 =	vand.u32 $0x7F, v18;
	v19 =	vand.u32 $0xFFFFFC00, v19  }
0x17f: {  	v18 =	vor.u32 v18, v19  }
0x180: {  	v18 =	vadd.s32 v9, v18;
	_ =	sdelay $0x4  }
0x181: {  	v18 =	vld.idx.msk [tilespmem:v18+s15+$0x0], $0xffff;
	_ =	sdelay $0x4  }
0x182: {  	vm1 =	vle.f32 v14, v18  }
0x183: {  	v15 =	vsel vm1, v15, v17;
	v16 =	vsel vm1, v17, v16  }
0x184: {  	v17 =	vsub.s32 v16, v15  }
0x185: {  	v17 =	vshra.s32 v17, $0x1  }
0x186: {  	v17 =	vadd.s32 v15, v17  }
0x187: {  	v18 =	vsub.s32 v17, v13  }
0x188: {  	v19 =	vshll.u32 v18, $0x3  }
0x189: {  	v18 =	vand.u32 $0x7F, v18;
	v19 =	vand.u32 $0xFFFFFC00, v19  }
0x18a: {  	v18 =	vor.u32 v18, v19  }
0x18b: {  	v18 =	vadd.s32 v9, v18;
	_ =	sdelay $0x4  }
0x18c: {  	v18 =	vld.idx.msk [tilespmem:v18+s15+$0x0], $0xffff;
	_ =	sdelay $0x4  }
0x18d: {  	vm1 =	vle.f32 v14, v18  }
0x18e: {  	v15 =	vsel vm1, v15, v17;
	v16 =	vsel vm1, v17, v16  }
0x18f: {  	v17 =	vsub.s32 v16, v15  }
0x190: {  	v17 =	vshra.s32 v17, $0x1  }
0x191: {  	v17 =	vadd.s32 v15, v17  }
0x192: {  	v18 =	vsub.s32 v17, v13  }
0x193: {  	v19 =	vshll.u32 v18, $0x3  }
0x194: {  	v18 =	vand.u32 $0x7F, v18;
	v19 =	vand.u32 $0xFFFFFC00, v19  }
0x195: {  	v18 =	vor.u32 v18, v19  }
0x196: {  	v18 =	vadd.s32 v9, v18;
	_ =	sdelay $0x4  }
0x197: {  	v18 =	vld.idx.msk [tilespmem:v18+s15+$0x0], $0xffff;
	_ =	sdelay $0x4  }
0x198: {  	vm1 =	vle.f32 v14, v18  }
0x199: {  	v15 =	vsel vm1, v15, v17;
	v16 =	vsel vm1, v17, v16  }
0x19a: {  	v17 =	vsub.s32 v16, v15  }
0x19b: {  	v17 =	vshra.s32 v17, $0x1  }
0x19c: {  	v17 =	vadd.s32 v15, v17  }
0x19d: {  	v18 =	vsub.s32 v17, v13  }
0x19e: {  	v19 =	vshll.u32 v18, $0x3  }
0x19f: {  	v18 =	vand.u32 $0x7F, v18;
	v19 =	vand.u32 $0xFFFFFC00, v19  }
0x1a0: {  	v18 =	vor.u32 v18, v19  }
0x1a1: {  	v18 =	vadd.s32 v9, v18;
	_ =	sdelay $0x4  }
0x1a2: {  	v18 =	vld.idx.msk [tilespmem:v18+s15+$0x0], $0xffff;
	_ =	sdelay $0x4  }
0x1a3: {  	vm1 =	vle.f32 v14, v18  }
0x1a4: {  	v15 =	vsel vm1, v15, v17;
	v16 =	vsel vm1, v17, v16  }
0x1a5: {  	v17 =	vsub.s32 v16, v15  }
0x1a6: {  	v17 =	vshra.s32 v17, $0x1  }
0x1a7: {  	v15 =	vadd.s32 v15, v17  }
0x1a8: {  	v13 =	vsub.s32 v15, v13  }
0x1a9: {  	v17 =	vshll.u32 v13, $0x3  }
0x1aa: {  	v13 =	vand.u32 $0x7F, v13;
	v17 =	vand.u32 $0xFFFFFC00, v17  }
0x1ab: {  	v13 =	vor.u32 v13, v17  }
0x1ac: {  	v13 =	vadd.s32 v9, v13;
	_ =	sdelay $0x4  }
0x1ad: {  	v13 =	vld.idx.msk [tilespmem:v13+s15+$0x0], $0xffff;
	_ =	sdelay $0x4  }
0x1ae: {  	vm1 =	vle.f32 v14, v13  }
0x1af: {  	v13 =	vsel vm1, v15, v16  }
0x1b0: {  	[tilespmem:$0x4A10] =	vst v13  }
0x1b1: {  	v13 =	vld.idx.msk [tilespmem:v1+s24+$0x0], $0xffff;
	_ =	sdelay $0x4  }
0x1b2: {  	v13 =	vshra.s32 v13, $0x7  }
0x1b3: {  	[tilespmem:$0x4A80] =	vst v13  }
0x1b4: {  	v13 =	vld.idx.msk [tilespmem:v10+s24+$0x0], $0xffff;
	_ =	sdelay $0x4  }
0x1b5: {  	v13 =	vshra.s32 v13, $0x7  }
0x1b6: {  	[tilespmem:$0x4A90] =	vst v13  }
0x1b7: {  	v13 =	vld.idx.msk [tilespmem:v1+s24+$0x0], $0xffff;
	_ =	sdelay $0x4  }
0x1b8: {  	v13 =	vshra.s32 v13, $0x7  }
0x1b9: {  	v13 =	vadd.s32 $0x2000, v13  }
0x1ba: {  	[tilespmem:$0x4AA0] =	vst v13  }
0x1bb: {  	v13 =	vld.idx.msk [tilespmem:v10+s24+$0x0], $0xffff;
	_ =	sdelay $0x4  }
0x1bc: {  	v13 =	vshra.s32 v13, $0x7  }
0x1bd: {  	v13 =	vadd.s32 $0x2000, v13  }
0x1be: {  	[tilespmem:$0x4AB0] =	vst v13  }
0x1bf: {  	v13 =	vld.idx.msk [tilespmem:v1+s24+$0x0], $0xffff;
	_ =	sdelay $0x4  }
0x1c0: {  	v13 =	vshra.s32 v13, $0x7  }
0x1c1: {  	v13 =	vadd.s32 $0x4000, v13  }
0x1c2: {  	[tilespmem:$0x4AC0] =	vst v13  }
0x1c3: {  	v13 =	vld.idx.msk [tilespmem:v10+s24+$0x0], $0xffff;
	_ =	sdelay $0x4  }
0x1c4: {  	v13 =	vshra.s32 v13, $0x7  }
0x1c5: {  	v13 =	vadd.s32 $0x4000, v13  }
0x1c6: {  	[tilespmem:$0x4AD0] =	vst v13  }
0x1c7: {  	[tilespmem:s28], [sflag:$0x1] =	stream.indirect.gather [hbm4b:s7+s25], $0x80, s26, s25, $0xb8;
	[tilespmem:$0x9C00] =	vst v63  }
0x1c8: {  	_ =	swait.ge [sflag:s23], $0x3000  }
0x1c9: {  	[sflag:s23] =	ssyncset.done $0x0  }
0x1ca: {  	[sflag:s23] =	ssyncadd.s32 $0xFFFFD000  }
0x1cb: {  	s13 =	rddreg [dreg:$0x1]  }
0x1cc: {  	[tilespmem:s29], [sflag:$0x2] =	stream.linear.gather [hbm4b:s13+s4], $0x1000, $0x38;
	[tilespmem:$0x9C00] =	vst v63  }
0x1cd: {  	_ =	swait.ge [sflag:s12], $0x1000  }
0x1ce: {  	[sflag:s12] =	ssyncset.done $0x0  }
0x1cf: {  	[sflag:s12] =	ssyncadd.s32 $0xFFFFF000  }
0x1d0: {  	v13 =	vld.idx.msk [tilespmem:v1+s14+$0x0], $0xffff;
	_ =	sdelay $0x7  }
0x1d1: {  	v13 =	vld.idx.msk [tilespmem:v13+s29+$0x0], $0xffff;
	_ =	sdelay $0x4  }
0x1d2: {  	[tilespmem:$0x8B80] =	vst v13  }
0x1d3: {  	v13 =	vld.idx.msk [tilespmem:v10+s14+$0x0], $0xffff;
	_ =	sdelay $0x7  }
0x1d4: {  	v13 =	vld.idx.msk [tilespmem:v13+s29+$0x0], $0xffff;
	_ =	sdelay $0x4  }
0x1d5: {  	[tilespmem:$0x8B90] =	vst v13  }
0x1d6: {  	v13 =	vld.idx.msk [tilespmem:v1+s24+$0x0], $0xffff;
	_ =	sdelay $0x4  }
0x1d7: {  	v15 =	vmov s4;
	v14 =	vand.u32 $0x7F, v13  }
0x1d8: {  	v16 =	vor.u32 v6, v14  }
0x1d9: {  	v19 =	vor.u32 v11, v14  }
0x1da: {  	v13 =	vmul.u32 $0x4, v1;
	v20 =	vor.u32 v12, v14  }
0x1db: {  	v21 =	vshll.u32 v15, $0x7  }
0x1dc: {  	v22 =	vld.idx.msk [tilespmem:v15+s30+$0x0], $0xffff;
	v23 =	vor.u32 v13, v21;
	v17 =	vor.u32 $0x1, v13  }
0x1dd: {  	v18 =	vor.u32 $0x2, v13;
	v24 =	vor.u32 v17, v21;
	v14 =	vld.idx.msk [tilespmem:v16+s28+$0x0], $0xffff  }
0x1de: {  	v25 =	vor.u32 v18, v21;
	v15 =	vld.idx.msk [tilespmem:v19+s28+$0x0], $0xffff;
	v19 =	vor.u32 $0x3, v13  }
0x1df: {  	s13 =	simm.s32 $0x1;
	v16 =	vld.idx.msk [tilespmem:v20+s28+$0x0], $0xffff;
	v21 =	vor.u32 v19, v21  }
0x1e0: {  	v20 =	vmov s13  }
0x1e1: {  	[tilespmem:v23+s31+$0x0] =	vst.idx.msk $0xffff, v22  }
0x1e2: {  	[tilespmem:v24+s31+$0x0] =	vst.idx.msk $0xffff, v14  }
0x1e3: {  	s13 =	simm.s32 $0x2;
	[tilespmem:v25+s31+$0x0] =	vst.idx.msk $0xffff, v15  }
.LBB2_2:
0x1e4: {  	p0 =	sne.s32 s13, $0x1F;
	[tilespmem:v21+s31+$0x0] =	vst.idx.msk $0xffff, v16  }
0x1e5: {  	v22 =	vld.idx.msk [tilespmem:v20+s30+$0x0], $0xffff;
	v20 =	vshll.u32 v20, $0x7  }
0x1e6: {  	v23 =	vor.u32 v13, v20  }
0x1e7: {  	v24 =	vor.u32 v17, v20  }
0x1e8: {  	v25 =	vor.u32 v18, v20  }
.Ltmp0:
0x1e9: {  	v21 =	vor.u32 v19, v20;
	(pc) =	sbr.rel @p0 .LBB2_2-.Ltmp0, $4  }
0x1ea: {  	v20 =	vmov s13  }
0x1eb: {  	[tilespmem:v23+s31+$0x0] =	vst.idx.msk $0xffff, v22  }
0x1ec: {  	[tilespmem:v24+s31+$0x0] =	vst.idx.msk $0xffff, v14  }
0x1ed: {  	s13 =	sadd.s32 $0x1, s13;
	[tilespmem:v25+s31+$0x0] =	vst.idx.msk $0xffff, v15  }
0x1ee: {  	_ =	sdelay $0x3  }
0x1ef: {  	[tilespmem:v21+s31+$0x0] =	vst.idx.msk $0xffff, v16;
	v21 =	vshll.u32 v20, $0x7  }
0x1f0: {  	v20 =	vld.idx.msk [tilespmem:v20+s30+$0x0], $0xffff;
	v22 =	vor.u32 v13, v21  }
0x1f1: {  	v17 =	vor.u32 v17, v21  }
0x1f2: {  	v18 =	vor.u32 v18, v21  }
0x1f3: {  	v19 =	vor.u32 v19, v21;
	_ =	sdelay $0x1  }
0x1f4: {  	[tilespmem:v22+s31+$0x0] =	vst.idx.msk $0xffff, v20  }
0x1f5: {  	[tilespmem:v17+s31+$0x0] =	vst.idx.msk $0xffff, v14  }
0x1f6: {  	[tilespmem:v18+s31+$0x0] =	vst.idx.msk $0xffff, v15  }
0x1f7: {  	[tilespmem:v19+s31+$0x0] =	vst.idx.msk $0xffff, v16  }
0x1f8: {  	v14 =	vld.idx.msk [tilespmem:v10+s24+$0x0], $0xffff;
	_ =	sdelay $0x3  }
0x1f9: {  	s13 =	simm.s32 $0x0  }
0x1fa: {  	v15 =	vor.u32 $0x800, v6;
	v16 =	vmov s13;
	v14 =	vand.u32 $0x7F, v14  }
0x1fb: {  	v17 =	vor.u32 v15, v14;
	v15 =	vor.u32 $0x1800, v6  }
0x1fc: {  	v20 =	vor.u32 v15, v14;
	v15 =	vor.u32 $0x2800, v6  }
0x1fd: {  	v21 =	vor.u32 v15, v14  }
0x1fe: {  	v22 =	vshll.u32 v16, $0x7;
	v15 =	vor.u32 $0x40, v13  }
0x1ff: {  	v18 =	vor.u32 $0x41, v13;
	v23 =	vld.idx.msk [tilespmem:v16+s30+$0x0], $0xffff;
	v24 =	vor.u32 v15, v22  }
0x200: {  	v19 =	vor.u32 $0x42, v13;
	v25 =	vor.u32 v18, v22;
	v14 =	vld.idx.msk [tilespmem:v17+s28+$0x0], $0xffff  }
0x201: {  	v26 =	vor.u32 v19, v22;
	v13 =	vor.u32 $0x43, v13;
	v16 =	vld.idx.msk [tilespmem:v20+s28+$0x0], $0xffff  }
0x202: {  	s13 =	simm.s32 $0x1;
	v17 =	vld.idx.msk [tilespmem:v21+s28+$0x0], $0xffff;
	v21 =	vor.u32 v13, v22  }
0x203: {  	v20 =	vmov s13  }
0x204: {  	[tilespmem:v24+s31+$0x0] =	vst.idx.msk $0xffff, v23  }
0x205: {  	[tilespmem:v25+s31+$0x0] =	vst.idx.msk $0xffff, v14  }
0x206: {  	s13 =	simm.s32 $0x2;
	[tilespmem:v26+s31+$0x0] =	vst.idx.msk $0xffff, v16  }
.LBB2_4:
0x207: {  	p0 =	sne.s32 s13, $0x1F;
	[tilespmem:v21+s31+$0x0] =	vst.idx.msk $0xffff, v17  }
0x208: {  	v22 =	vld.idx.msk [tilespmem:v20+s30+$0x0], $0xffff;
	v20 =	vshll.u32 v20, $0x7  }
0x209: {  	v23 =	vor.u32 v15, v20  }
0x20a: {  	v24 =	vor.u32 v18, v20  }
0x20b: {  	v25 =	vor.u32 v19, v20  }
.Ltmp1:
0x20c: {  	v21 =	vor.u32 v13, v20;
	(pc) =	sbr.rel @p0 .LBB2_4-.Ltmp1, $4  }
0x20d: {  	v20 =	vmov s13  }
0x20e: {  	[tilespmem:v23+s31+$0x0] =	vst.idx.msk $0xffff, v22  }
0x20f: {  	[tilespmem:v24+s31+$0x0] =	vst.idx.msk $0xffff, v14  }
0x210: {  	s13 =	sadd.s32 $0x1, s13;
	[tilespmem:v25+s31+$0x0] =	vst.idx.msk $0xffff, v16  }
0x211: {  	_ =	sdelay $0x3  }
0x212: {  	[tilespmem:v21+s31+$0x0] =	vst.idx.msk $0xffff, v17;
	v62 =	vshll.u32 v20, $0x7  }
0x213: {  	v63 =	vld.idx.msk [tilespmem:v20+s30+$0x0], $0xffff;
	v15 =	vor.u32 v15, v62  }
0x214: {  	v18 =	vor.u32 v18, v62  }
0x215: {  	v19 =	vor.u32 v19, v62  }
0x216: {  	v13 =	vor.u32 v13, v62;
	_ =	sdelay $0x1  }
0x217: {  	[tilespmem:v15+s31+$0x0] =	vst.idx.msk $0xffff, v63  }
0x218: {  	s1 =	sadd.s32 $0x1, s1;
	[tilespmem:v18+s31+$0x0] =	vst.idx.msk $0xffff, v14  }
0x219: {  	p0 =	sne.s32 s1, s11;
	[tilespmem:v19+s31+$0x0] =	vst.idx.msk $0xffff, v16  }
.Ltmp2:
0x21a: {  	[tilespmem:v13+s31+$0x0] =	vst.idx.msk $0xffff, v17;
	(pc) =	sbr.rel @p0 .LBB2_1-.Ltmp2, $4  }
0x21b: {  	[hbm4b:s10+s2] =	stream.strided.scatter [tilespmem:s31], [sflag:$0x2], $0x1000, s3, s2, $0x38;
	[tilespmem:$0x9C00] =	vst v63  }
0x21c: {  	_ =	swait.ge [sflag:s12], $0x1000  }
0x21d: {  	[sflag:s12] =	ssyncset.done $0x0  }
0x21e: {  	[sflag:s12] =	ssyncadd.s32 $0xFFFFF000  }
0x21f: {  	_ =	sfence.sel $0x180000  }
0x220: {  	[bflag:$0x0] =	sbarrier.arrive $0xFFFF  }
0x221: {  	_ =	strace $0x90000047  }
0x222: {  	s0 =	stileid.u32;
	[bflag:$0x2] =	sbarrier.arrive $0xFFFF  }
0x223: {  	p0 =	sne.s32 s0, $0x0;
	s0 =	rddreg [dreg:$0x3]  }
0x224: {  	s0 =	sadd.s32 @!p0 $0x100000, s0  }
0x225: {  	[sflag:s0] =	ssyncadd.tile.s32 @!p0 $0x1;
	_ =	shalt  }
.Lfunc_end2:
_tile_overlayer_lowered:
.L_overlay_start_2:
0x226: {  	(tag) =	ssettag $0x2  }
0x227: {  	s0 =	rddreg [dreg:$0x0];
	s2 =	stileid.u32  }
0x228: {  	s1 =	rddreg [dreg:$0x1];
	p0 =	sne.s32 s2, $0x0  }
0x229: {  	s3 =	rddreg [dreg:$0x2];
	[bflag:$0x3] =	sbarrier.arrive $0xFFFF;
	s2 =	simm.s32 @!p0 $0x1C02  }
0x22a: {  	[timem:s3], [sflag:s2] =	dma.local @!p0 [hbm:s0], s1  }
0x22b: {  	s0 =	simm.s32 @!p0 $0x2  }
0x22c: {  	_ =	swait.ge @!p0 [sflag:s0], s1  }
0x22d: {  	s1 =	ssub.s32 @!p0 $0x0, s1;
	[sflag:s0] =	ssyncset.done @!p0 $0x0  }
0x22e: {  	[sflag:s0] =	ssyncadd.s32 @!p0 s1  }
0x22f: {  	[bflag:$0x3] =	sbarrier.arrive $0xFFFF  }
0x230: {  	_ =	shalt  }

</sc_bundles>
